<compile_context>
chip_gen: v7x
topology: tpu7x:2x2x1
jax: 0.10.2.dev20260603
libtpu: 0.0.44.dev20260713+nightly
codegen_flags: <defaults>
</compile_context>

<pallas_src>
import functools

import jax
import jax.numpy as jnp
from jax import lax
from jax.experimental import pallas as pl
from jax.experimental.pallas import tpu as pltpu
from jax.experimental.pallas import tpu_sc as plsc

N = 10000
E = 320000
P = 10000
H = 128

NC = 2
NS = 16
NW = NC * NS
KI = 125
ROWS = E // KI
RPW = ROWS // NW
CPT = 624
CPT_LAST = N - (NS - 1) * CPT
GKI = 128
GPAD = 4 * P + (-(4 * P) % (NW * GKI))
GPW = GPAD // (NW * GKI)

BLK = 1000

_MESH = plsc.VectorSubcoreMesh(
    core_axis_name="c", subcore_axis_name="s", num_cores=NC, num_subcores=NS)


def _scatter_body(m_hbm, src_hbm, dst_hbm, z_hbm, out_hbm,
                  sidx, didx, rows0, rows1, acc, sem0, sem1):
    c = lax.axis_index("c")
    s = lax.axis_index("s")
    w = s * NC + c

    base = s * CPT
    pltpu.sync_copy(z_hbm.at[pl.ds(0, CPT)], acc.at[pl.ds(base, CPT)])

    @pl.when(s == NS - 1)
    def _zero_tail():
        pltpu.sync_copy(z_hbm.at[pl.ds(0, CPT_LAST - CPT)],
                        acc.at[pl.ds(NS * CPT, CPT_LAST - CPT)])
    plsc.subcore_barrier()

    HRP = RPW // 2
    HPAIR = HRP // 2
    for ph in range(2):
        pltpu.sync_copy(src_hbm.at[pl.ds(w * RPW + ph * HRP, HRP)], sidx)
        pltpu.sync_copy(dst_hbm.at[pl.ds(w * RPW + ph * HRP, HRP)], didx)

        pltpu.async_copy(m_hbm.at[sidx.at[0]], rows0, sem0)

        def _step(p, carry):
            j0 = 2 * p
            pltpu.make_async_copy(m_hbm.at[sidx.at[j0]], rows0, sem0).wait()
            pltpu.async_copy(m_hbm.at[sidx.at[j0 + 1]], rows1, sem1)
            pltpu.sync_copy(rows0, acc.at[didx.at[j0]], add=True)

            @pl.when(p < HPAIR - 1)
            def _prefetch():
                pltpu.async_copy(m_hbm.at[sidx.at[j0 + 2]], rows0, sem0)

            pltpu.make_async_copy(m_hbm.at[sidx.at[j0 + 1]], rows1, sem1).wait()
            pltpu.sync_copy(rows1, acc.at[didx.at[j0 + 1]], add=True)
            return carry
        lax.fori_loop(0, HPAIR, _step, 0)
    plsc.subcore_barrier()

    pltpu.sync_copy(acc.at[pl.ds(base, CPT)], out_hbm.at[c, pl.ds(base, CPT)])

    @pl.when(s == NS - 1)
    def _out_tail():
        pltpu.sync_copy(acc.at[pl.ds(NS * CPT, CPT_LAST - CPT)],
                        out_hbm.at[c, pl.ds(NS * CPT, CPT_LAST - CPT)])


_sc_scatter = functools.partial(
    pl.kernel,
    out_type=jax.ShapeDtypeStruct((NC, N, H), jnp.float32),
    mesh=_MESH,
    scratch_types=[
        pltpu.VMEM((RPW // 2, KI), jnp.int32),
        pltpu.VMEM((RPW // 2, KI), jnp.int32),
        pltpu.VMEM((KI, H), jnp.float32),
        pltpu.VMEM((KI, H), jnp.float32),
        pltpu.VMEM_SHARED((N, H), jnp.float32),
        pltpu.SemaphoreType.DMA,
        pltpu.SemaphoreType.DMA,
    ],
)(_scatter_body)


def _gather_body(h_hbm, idx_hbm, out_hbm, gidx, rows0, rows1, sem0, sem1):
    c = lax.axis_index("c")
    s = lax.axis_index("s")
    w = s * NC + c

    pltpu.sync_copy(idx_hbm.at[w], gidx)
    cp = {0: pltpu.async_copy(h_hbm.at[gidx.at[0]], rows0, sem0)}
    for q in range(GPW // 2):
        j0 = 2 * q
        cp.pop(j0).wait()
        cp[j0 + 1] = pltpu.async_copy(h_hbm.at[gidx.at[j0 + 1]], rows1, sem1)
        pltpu.sync_copy(rows0, out_hbm.at[pl.ds((w * GPW + j0) * GKI, GKI)])
        if j0 + 2 < GPW:
            cp[j0 + 2] = pltpu.async_copy(h_hbm.at[gidx.at[j0 + 2]], rows0, sem0)
        cp.pop(j0 + 1).wait()
        pltpu.sync_copy(rows1, out_hbm.at[pl.ds((w * GPW + j0 + 1) * GKI, GKI)])


_sc_gather = functools.partial(
    pl.kernel,
    out_type=jax.ShapeDtypeStruct((GPAD, H), jnp.float32),
    mesh=_MESH,
    scratch_types=[
        pltpu.VMEM((GPW, GKI), jnp.int32),
        pltpu.VMEM((GKI, H), jnp.float32),
        pltpu.VMEM((GKI, H), jnp.float32),
        pltpu.SemaphoreType.DMA,
        pltpu.SemaphoreType.DMA,
    ],
)(_gather_body)


def _msg_body(h_ref, wT_ref, b_ref, o_ref):
    o_ref[...] = (jnp.dot(h_ref[...], wT_ref[...],
                          preferred_element_type=jnp.float32) + b_ref[...])


_tc_msg = pl.pallas_call(
    _msg_body,
    grid=(N // BLK,),
    in_specs=[
        pl.BlockSpec((BLK, H), lambda i: (i, 0)),
        pl.BlockSpec((H, H), lambda i: (0, 0)),
        pl.BlockSpec((1, H), lambda i: (0, 0)),
    ],
    out_specs=pl.BlockSpec((BLK, H), lambda i: (i, 0)),
    out_shape=jax.ShapeDtypeStruct((N, H), jnp.float32),
)


def _gru_body(a_ref, h_ref, wihT_ref, whhT_ref, bih_ref, bhh_ref,
              wmT_ref, bm_ref, oh_ref, om_ref):
    h = h_ref[...]
    a = a_ref[0] + a_ref[1]
    gi = jnp.dot(a, wihT_ref[...], preferred_element_type=jnp.float32) + bih_ref[...]
    gh = jnp.dot(h, whhT_ref[...], preferred_element_type=jnp.float32) + bhh_ref[...]
    r = jax.nn.sigmoid(gi[:, :H] + gh[:, :H])
    z = jax.nn.sigmoid(gi[:, H:2 * H] + gh[:, H:2 * H])
    n = jnp.tanh(gi[:, 2 * H:] + r * gh[:, 2 * H:])
    hn = (1.0 - z) * n + z * h
    oh_ref[...] = hn
    om_ref[...] = (jnp.dot(hn, wmT_ref[...],
                           preferred_element_type=jnp.float32) + bm_ref[...])


_tc_gru = pl.pallas_call(
    _gru_body,
    grid=(N // BLK,),
    in_specs=[
        pl.BlockSpec((NC, BLK, H), lambda i: (0, i, 0)),
        pl.BlockSpec((BLK, H), lambda i: (i, 0)),
        pl.BlockSpec((H, 3 * H), lambda i: (0, 0)),
        pl.BlockSpec((H, 3 * H), lambda i: (0, 0)),
        pl.BlockSpec((1, 3 * H), lambda i: (0, 0)),
        pl.BlockSpec((1, 3 * H), lambda i: (0, 0)),
        pl.BlockSpec((H, H), lambda i: (0, 0)),
        pl.BlockSpec((1, H), lambda i: (0, 0)),
    ],
    out_specs=[
        pl.BlockSpec((BLK, H), lambda i: (i, 0)),
        pl.BlockSpec((BLK, H), lambda i: (i, 0)),
    ],
    out_shape=[
        jax.ShapeDtypeStruct((N, H), jnp.float32),
        jax.ShapeDtypeStruct((N, H), jnp.float32),
    ],
)


def _pred_body(pa_ref, pb_ref, na_ref, nb_ref, w1T_ref, b1_ref, w2T_ref,
               b2_ref, op_ref, on_ref):
    def head(u):
        v = jnp.dot(u, w1T_ref[...], preferred_element_type=jnp.float32) + b1_ref[...]
        v = jnp.where(v > 0, v, 0.2 * v)
        return jnp.dot(v, w2T_ref[...], preferred_element_type=jnp.float32) + b2_ref[...]

    op_ref[...] = head(pa_ref[...] * pb_ref[...])
    on_ref[...] = head(na_ref[...] * nb_ref[...])


_tc_pred = pl.pallas_call(
    _pred_body,
    grid=(P // BLK,),
    in_specs=[
        pl.BlockSpec((BLK, H), lambda i: (i, 0)),
        pl.BlockSpec((BLK, H), lambda i: (i, 0)),
        pl.BlockSpec((BLK, H), lambda i: (i, 0)),
        pl.BlockSpec((BLK, H), lambda i: (i, 0)),
        pl.BlockSpec((H, H // 2), lambda i: (0, 0)),
        pl.BlockSpec((1, H // 2), lambda i: (0, 0)),
        pl.BlockSpec((H // 2, 1), lambda i: (0, 0)),
        pl.BlockSpec((1, 1), lambda i: (0, 0)),
    ],
    out_specs=[
        pl.BlockSpec((BLK, 1), lambda i: (i, 0)),
        pl.BlockSpec((BLK, 1), lambda i: (i, 0)),
    ],
    out_shape=[
        jax.ShapeDtypeStruct((P, 1), jnp.float32),
        jax.ShapeDtypeStruct((P, 1), jnp.float32),
    ],
)


def kernel(x, edge_index, pos_edge_index, neg_edge_index, e,
           W_msg, b_msg, W_ih, W_hh, b_ih, b_hh, W1, b1, W2, b2):
    src_r = edge_index[0].reshape(ROWS, KI)
    dst_r = edge_index[1].reshape(ROWS, KI)
    wmT = W_msg.T
    bm = b_msg.reshape(1, H)

    h = x
    m = _tc_msg(h, wmT, bm)

    zrows = jnp.zeros((CPT, H), jnp.float32)

    def _step(_, hm):
        h_t, m_t = hm
        a = _sc_scatter(m_t, src_r, dst_r, zrows)
        return _tc_gru(a, h_t,
                       W_ih.T, W_hh.T, b_ih.reshape(1, -1), b_hh.reshape(1, -1),
                       wmT, bm)

    h, m = lax.fori_loop(0, 3, _step, (h, m))

    idx_all = jnp.concatenate(
        [pos_edge_index[0], pos_edge_index[1],
         neg_edge_index[0], neg_edge_index[1],
         jnp.zeros((GPAD - 4 * P,), jnp.int32)]).reshape(NW, GPW, GKI)
    rows = _sc_gather(h, idx_all)
    h_pos, h_neg = _tc_pred(rows[0:P], rows[P:2 * P], rows[2 * P:3 * P],
                            rows[3 * P:4 * P],
                            W1.T, b1.reshape(1, -1), W2.T, b2.reshape(1, 1))
    return (h_pos, h_neg, h)

# --- scband reference (transcript-rebuilt; emitter-appended) ---
"""Pipeline reference for scband-ggnn-40132174414161 (READ-ONLY COPY).

The authoritative reference and input builder live on the scoring server;
editing this copy changes nothing except your own understanding.
"""

import jax, jax.numpy as jnp
import numpy as np

N = 10000
E = 320000
P = 10000
D = 128
H = 128
T = 3  # num_timesteps


def setup_inputs(seed: int = 0) -> dict:
    key = jax.random.key(seed)
    ks = jax.random.split(key, 16)
    x = jax.random.normal(ks[0], (N, D), dtype=jnp.float32)
    edge_index = jax.random.randint(ks[1], (2, E), 0, N, dtype=jnp.int32)
    pos_edge_index = jax.random.randint(ks[2], (2, P), 0, N, dtype=jnp.int32)
    neg_edge_index = jax.random.randint(ks[3], (2, P), 0, N, dtype=jnp.int32)
    e = jax.random.uniform(ks[4], (E,), dtype=jnp.float32)
    s = 0.05
    # GatedGraphConv (n_etypes=1): per-etype Linear(out_feats, out_feats)
    W_msg = jax.random.normal(ks[5], (H, H), dtype=jnp.float32) * s
    b_msg = jnp.zeros((H,), dtype=jnp.float32)
    # GRUCell(input=H, hidden=H): gates ordered [r, z, n] as in torch
    W_ih = jax.random.normal(ks[6], (3 * H, H), dtype=jnp.float32) * s
    W_hh = jax.random.normal(ks[7], (3 * H, H), dtype=jnp.float32) * s
    b_ih = jnp.zeros((3 * H,), dtype=jnp.float32)
    b_hh = jnp.zeros((3 * H,), dtype=jnp.float32)
    # predictor: Linear(H, H//2) -> LeakyReLU(0.2) -> Linear(H//2, 1)
    W1 = jax.random.normal(ks[8], (H // 2, H), dtype=jnp.float32) * s
    b1 = jnp.zeros((H // 2,), dtype=jnp.float32)
    W2 = jax.random.normal(ks[9], (1, H // 2), dtype=jnp.float32) * s
    b2 = jnp.zeros((1,), dtype=jnp.float32)
    return {
        "x": x, "edge_index": edge_index, "pos_edge_index": pos_edge_index,
        "neg_edge_index": neg_edge_index, "e": e,
        "W_msg": W_msg, "b_msg": b_msg,
        "W_ih": W_ih, "W_hh": W_hh, "b_ih": b_ih, "b_hh": b_hh,
        "W1": W1, "b1": b1, "W2": W2, "b2": b2,
    }


def reference(x, edge_index, pos_edge_index, neg_edge_index, e,
              W_msg, b_msg, W_ih, W_hh, b_ih, b_hh, W1, b1, W2, b2):
    src = edge_index[0]
    dst = edge_index[1]
    # GatedGraphConv: init h from x, zero-padded to out_feats (here D == H, no-op pad)
    h = jnp.pad(x, ((0, 0), (0, H - D)))
    for _ in range(T):
        m = h @ W_msg.T + b_msg            # per-etype linear (n_etypes=1)
        msg = jnp.take(m, src, axis=0)      # gather messages at edge sources
        a = jnp.zeros((N, H), dtype=h.dtype).at[dst].add(msg)  # scatter-add to dst
        gi = a @ W_ih.T + b_ih
        gh = h @ W_hh.T + b_hh
        i_r, i_z, i_n = jnp.split(gi, 3, axis=1)
        h_r, h_z, h_n = jnp.split(gh, 3, axis=1)
        r = jax.nn.sigmoid(i_r + h_r)
        z = jax.nn.sigmoid(i_z + h_z)
        n = jnp.tanh(i_n + r * h_n)
        h = (1.0 - z) * n + z * h
    # dropout(p=0.2) is identity in eval mode

    def predictor(v):
        v = v @ W1.T + b1
        v = jnp.where(v > 0, v, 0.2 * v)   # LeakyReLU(negative_slope=0.2)
        return v @ W2.T + b2

    h_pos = predictor(jnp.take(h, pos_edge_index[0], axis=0) * jnp.take(h, pos_edge_index[1], axis=0))
    h_neg = predictor(jnp.take(h, neg_edge_index[0], axis=0) * jnp.take(h, neg_edge_index[1], axis=0))
    return (h_pos, h_neg, h)

if __name__ == "__main__":
    import jax
    _d = setup_inputs()
    print(jax.jit(kernel)(*tuple(_d.values())))

</pallas_src>

<mosaic_0001>
#map = affine_map<(d0, d1) -> (0, 0)>
#map1 = affine_map<(d0, d1) -> (0, 0, 0)>
module attributes {stable_mosaic.version = 14 : i64} {
  func.func @_scatter_body(%arg0: i32, %arg1: i32, %arg2: memref<10000x128xf32, #tpu.memory_space<hbm>>, %arg3: memref<2560x125xi32, #tpu.memory_space<hbm>>, %arg4: memref<2560x125xi32, #tpu.memory_space<hbm>>, %arg5: memref<624x128xf32, #tpu.memory_space<hbm>>, %arg6: memref<2x10000x128xf32, #tpu.memory_space<hbm>>, %arg7: memref<40x125xi32, #tpu.memory_space<vmem>>, %arg8: memref<40x125xi32, #tpu.memory_space<vmem>>, %arg9: memref<125x128xf32, #tpu.memory_space<vmem>>, %arg10: memref<125x128xf32, #tpu.memory_space<vmem>>, %arg11: memref<10000x128xf32, #tpu.memory_space<vmem_shared>>, %arg12: memref<!tpu.dma_semaphore, #tpu.memory_space<semaphore_mem>>, %arg13: memref<!tpu.dma_semaphore, #tpu.memory_space<semaphore_mem>>) attributes {dimension_semantics = [#tpu.dimension_semantics<core_parallel>, #tpu.dimension_semantics<subcore_parallel>], iteration_bounds = array<i64: 2, 16>, scalar_prefetch = 0 : i64, scratch_operands = 7 : i64, tpu.core_type = #tpu.core_type<sc_vector_subcore>, window_params = [{transform_indices = #map}, {transform_indices = #map}, {transform_indices = #map}, {transform_indices = #map}, {transform_indices = #map1}]} {
    %mul3A = arith.constant 2 : i32
    %mul3A_0 = arith.muli %arg1, %mul3A : i32
    %add3A = arith.addi %mul3A_0, %arg0 : i32
    %mul3A_1 = arith.constant 624 : i32
    %mul3A_2 = arith.muli %arg1, %mul3A_1 : i32
    "tpu.region"() ({
      %run_scoped3A = tpu.sem_alloc : memref<!tpu.dma_semaphore, #tpu.memory_space<semaphore_mem>>
      %dma_start3A_51 = arith.constant 0 : i32
      %dma_start3A_52 = tpu.memref_slice %arg11[%mul3A_2, %dma_start3A_51] : memref<10000x128xf32, #tpu.memory_space<vmem_shared>> -> memref<624x128xf32, #tpu.memory_space<vmem_shared>>
      %dma_start3A_53 = arith.constant 0 : i32
      %dma_start3A_54 = arith.constant 0 : i32
      %dma_start3A_55 = tpu.memref_slice %arg5[%dma_start3A_53, %dma_start3A_54] : memref<624x128xf32, #tpu.memory_space<hbm>> -> memref<624x128xf32, #tpu.memory_space<hbm>>
      tpu.enqueue_dma source(%dma_start3A_55 : memref<624x128xf32, #tpu.memory_space<hbm>>) target(%dma_start3A_52 : memref<624x128xf32, #tpu.memory_space<vmem_shared>>) target_semaphore(%run_scoped3A : memref<!tpu.dma_semaphore, #tpu.memory_space<semaphore_mem>>)
      %dma_wait3A = arith.constant 0 : i32
      %dma_wait3A_56 = tpu.memref_slice %arg11[%mul3A_2, %dma_wait3A] : memref<10000x128xf32, #tpu.memory_space<vmem_shared>> -> memref<624x128xf32, #tpu.memory_space<vmem_shared>>
      %dma_wait3A_57 = arith.constant 0 : i32
      %dma_wait3A_58 = arith.constant 0 : i32
      %dma_wait3A_59 = tpu.memref_slice %arg5[%dma_wait3A_57, %dma_wait3A_58] : memref<624x128xf32, #tpu.memory_space<hbm>> -> memref<624x128xf32, #tpu.memory_space<hbm>>
      tpu.wait_dma2 semaphore(%run_scoped3A : memref<!tpu.dma_semaphore, #tpu.memory_space<semaphore_mem>>) src(%dma_wait3A_59 : memref<624x128xf32, #tpu.memory_space<hbm>>) dst(%dma_wait3A_56 : memref<624x128xf32, #tpu.memory_space<vmem_shared>>)
      tpu.yield
    }) : () -> ()
    %eq3A = arith.constant 15 : i32
    %eq3A_3 = arith.cmpi eq, %arg1, %eq3A : i32
    %convert_element_type3A = arith.extui %eq3A_3 : i1 to i32
    %cond3A = arith.constant 0 : i32
    %cond3A_4 = arith.cmpi ne, %convert_element_type3A, %cond3A : i32
    scf.if %cond3A_4 {
      "tpu.region"() ({
        %run_scoped3A = tpu.sem_alloc : memref<!tpu.dma_semaphore, #tpu.memory_space<semaphore_mem>>
        %dma_start3A_51 = arith.constant 9984 : i32
        %dma_start3A_52 = arith.constant 0 : i32
        %dma_start3A_53 = tpu.memref_slice %arg11[%dma_start3A_51, %dma_start3A_52] : memref<10000x128xf32, #tpu.memory_space<vmem_shared>> -> memref<16x128xf32, #tpu.memory_space<vmem_shared>>
        %dma_start3A_54 = arith.constant 0 : i32
        %dma_start3A_55 = arith.constant 0 : i32
        %dma_start3A_56 = tpu.memref_slice %arg5[%dma_start3A_54, %dma_start3A_55] : memref<624x128xf32, #tpu.memory_space<hbm>> -> memref<16x128xf32, #tpu.memory_space<hbm>>
        tpu.enqueue_dma source(%dma_start3A_56 : memref<16x128xf32, #tpu.memory_space<hbm>>) target(%dma_start3A_53 : memref<16x128xf32, #tpu.memory_space<vmem_shared>>) target_semaphore(%run_scoped3A : memref<!tpu.dma_semaphore, #tpu.memory_space<semaphore_mem>>)
        %dma_wait3A = arith.constant 9984 : i32
        %dma_wait3A_57 = arith.constant 0 : i32
        %dma_wait3A_58 = tpu.memref_slice %arg11[%dma_wait3A, %dma_wait3A_57] : memref<10000x128xf32, #tpu.memory_space<vmem_shared>> -> memref<16x128xf32, #tpu.memory_space<vmem_shared>>
        %dma_wait3A_59 = arith.constant 0 : i32
        %dma_wait3A_60 = arith.constant 0 : i32
        %dma_wait3A_61 = tpu.memref_slice %arg5[%dma_wait3A_59, %dma_wait3A_60] : memref<624x128xf32, #tpu.memory_space<hbm>> -> memref<16x128xf32, #tpu.memory_space<hbm>>
        tpu.wait_dma2 semaphore(%run_scoped3A : memref<!tpu.dma_semaphore, #tpu.memory_space<semaphore_mem>>) src(%dma_wait3A_61 : memref<16x128xf32, #tpu.memory_space<hbm>>) dst(%dma_wait3A_58 : memref<16x128xf32, #tpu.memory_space<vmem_shared>>)
        tpu.yield
      }) : () -> ()
    } else {
    }
    %barrier3A = arith.constant 0 : index
    tpu.barrier barrier_id(%barrier3A)
    %mul3A_5 = arith.constant 80 : i32
    %mul3A_6 = arith.muli %add3A, %mul3A_5 : i32
    %add3A_7 = arith.constant 0 : i32
    %add3A_8 = arith.addi %mul3A_6, %add3A_7 : i32
    "tpu.region"() ({
      %run_scoped3A = tpu.sem_alloc : memref<!tpu.dma_semaphore, #tpu.memory_space<semaphore_mem>>
      %dma_start3A_51 = arith.constant 0 : i32
      %dma_start3A_52 = tpu.memref_slice %arg3[%add3A_8, %dma_start3A_51] : memref<2560x125xi32, #tpu.memory_space<hbm>> -> memref<40x125xi32, #tpu.memory_space<hbm>>
      %dma_start3A_53 = arith.constant 0 : i32
      %dma_start3A_54 = tpu.memref_slice %arg3[%add3A_8, %dma_start3A_53] : memref<2560x125xi32, #tpu.memory_space<hbm>> -> memref<40x125xi32, #tpu.memory_space<hbm>>
      tpu.enqueue_dma source(%dma_start3A_54 : memref<40x125xi32, #tpu.memory_space<hbm>>) target(%arg7 : memref<40x125xi32, #tpu.memory_space<vmem>>) target_semaphore(%run_scoped3A : memref<!tpu.dma_semaphore, #tpu.memory_space<semaphore_mem>>)
      %dma_wait3A = arith.constant 0 : i32
      %dma_wait3A_55 = tpu.memref_slice %arg3[%add3A_8, %dma_wait3A] : memref<2560x125xi32, #tpu.memory_space<hbm>> -> memref<40x125xi32, #tpu.memory_space<hbm>>
      %dma_wait3A_56 = arith.constant 0 : i32
      %dma_wait3A_57 = tpu.memref_slice %arg3[%add3A_8, %dma_wait3A_56] : memref<2560x125xi32, #tpu.memory_space<hbm>> -> memref<40x125xi32, #tpu.memory_space<hbm>>
      tpu.wait_dma2 semaphore(%run_scoped3A : memref<!tpu.dma_semaphore, #tpu.memory_space<semaphore_mem>>) src(%dma_wait3A_57 : memref<40x125xi32, #tpu.memory_space<hbm>>) dst(%arg7 : memref<40x125xi32, #tpu.memory_space<vmem>>)
      tpu.yield
    }) : () -> ()
    %mul3A_9 = arith.constant 80 : i32
    %mul3A_10 = arith.muli %add3A, %mul3A_9 : i32
    %add3A_11 = arith.constant 0 : i32
    %add3A_12 = arith.addi %mul3A_10, %add3A_11 : i32
    "tpu.region"() ({
      %run_scoped3A = tpu.sem_alloc : memref<!tpu.dma_semaphore, #tpu.memory_space<semaphore_mem>>
      %dma_start3A_51 = arith.constant 0 : i32
      %dma_start3A_52 = tpu.memref_slice %arg4[%add3A_12, %dma_start3A_51] : memref<2560x125xi32, #tpu.memory_space<hbm>> -> memref<40x125xi32, #tpu.memory_space<hbm>>
      %dma_start3A_53 = arith.constant 0 : i32
      %dma_start3A_54 = tpu.memref_slice %arg4[%add3A_12, %dma_start3A_53] : memref<2560x125xi32, #tpu.memory_space<hbm>> -> memref<40x125xi32, #tpu.memory_space<hbm>>
      tpu.enqueue_dma source(%dma_start3A_54 : memref<40x125xi32, #tpu.memory_space<hbm>>) target(%arg8 : memref<40x125xi32, #tpu.memory_space<vmem>>) target_semaphore(%run_scoped3A : memref<!tpu.dma_semaphore, #tpu.memory_space<semaphore_mem>>)
      %dma_wait3A = arith.constant 0 : i32
      %dma_wait3A_55 = tpu.memref_slice %arg4[%add3A_12, %dma_wait3A] : memref<2560x125xi32, #tpu.memory_space<hbm>> -> memref<40x125xi32, #tpu.memory_space<hbm>>
      %dma_wait3A_56 = arith.constant 0 : i32
      %dma_wait3A_57 = tpu.memref_slice %arg4[%add3A_12, %dma_wait3A_56] : memref<2560x125xi32, #tpu.memory_space<hbm>> -> memref<40x125xi32, #tpu.memory_space<hbm>>
      tpu.wait_dma2 semaphore(%run_scoped3A : memref<!tpu.dma_semaphore, #tpu.memory_space<semaphore_mem>>) src(%dma_wait3A_57 : memref<40x125xi32, #tpu.memory_space<hbm>>) dst(%arg8 : memref<40x125xi32, #tpu.memory_space<vmem>>)
      tpu.yield
    }) : () -> ()
    %dma_start3A = arith.constant 0 : i32
    %dma_start3A_13 = arith.constant 0 : i32
    %dma_start3A_14 = tpu.memref_slice %arg7[%dma_start3A, %dma_start3A_13] : memref<40x125xi32, #tpu.memory_space<vmem>> -> memref<1x125xi32, #tpu.memory_space<vmem>>
    %dma_start3A_15 = tpu.memref_squeeze %dma_start3A_14 : memref<1x125xi32, #tpu.memory_space<vmem>> -> memref<125xi32, #tpu.memory_space<vmem>>
    %dma_start3A_16 = arith.constant 0 : i32
    %dma_start3A_17 = arith.constant 0 : i32
    %dma_start3A_18 = tpu.memref_slice %arg2[%dma_start3A_16, %dma_start3A_17] : memref<10000x128xf32, #tpu.memory_space<hbm>> -> memref<10000x128xf32, #tpu.memory_space<hbm>>
    tpu.enqueue_indirect_dma source(%dma_start3A_18 : memref<10000x128xf32, #tpu.memory_space<hbm>>) target(%arg9 : memref<125x128xf32, #tpu.memory_space<vmem>>) offsets(%dma_start3A_15 : memref<125xi32, #tpu.memory_space<vmem>>) semaphore(%arg12 : memref<!tpu.dma_semaphore, #tpu.memory_space<semaphore_mem>>)
    %scan3A = arith.constant 0 : i32
    %scan3A_19 = arith.constant 0 : i32
    %scan3A_20 = arith.constant 20 : i32
    %scan3A_21 = arith.addi %scan3A_19, %scan3A_20 : i32
    %scan3A_22 = arith.constant 1 : i32
    scf.for %scan3A_51 = %scan3A_19 to %scan3A_21 step %scan3A_22  : i32 {
      %mul3A_52 = arith.constant 2 : i32
      %mul3A_53 = arith.muli %mul3A_52, %scan3A_51 : i32
      %dma_wait3A = arith.constant 0 : i32
      %dma_wait3A_54 = tpu.memref_slice %arg7[%mul3A_53, %dma_wait3A] : memref<40x125xi32, #tpu.memory_space<vmem>> -> memref<1x125xi32, #tpu.memory_space<vmem>>
      %dma_wait3A_55 = tpu.memref_squeeze %dma_wait3A_54 : memref<1x125xi32, #tpu.memory_space<vmem>> -> memref<125xi32, #tpu.memory_space<vmem>>
      %dma_wait3A_56 = arith.constant 0 : i32
      %dma_wait3A_57 = arith.constant 0 : i32
      %dma_wait3A_58 = tpu.memref_slice %arg2[%dma_wait3A_56, %dma_wait3A_57] : memref<10000x128xf32, #tpu.memory_space<hbm>> -> memref<10000x128xf32, #tpu.memory_space<hbm>>
      tpu.wait_indirect_dma semaphore(%arg12 : memref<!tpu.dma_semaphore, #tpu.memory_space<semaphore_mem>>) src(%dma_wait3A_58 : memref<10000x128xf32, #tpu.memory_space<hbm>>) dst(%arg9 : memref<125x128xf32, #tpu.memory_space<vmem>>)
      %add3A_59 = arith.constant 1 : i32
      %add3A_60 = arith.addi %mul3A_53, %add3A_59 : i32
      %dma_start3A_61 = arith.constant 0 : i32
      %dma_start3A_62 = tpu.memref_slice %arg7[%add3A_60, %dma_start3A_61] : memref<40x125xi32, #tpu.memory_space<vmem>> -> memref<1x125xi32, #tpu.memory_space<vmem>>
      %dma_start3A_63 = tpu.memref_squeeze %dma_start3A_62 : memref<1x125xi32, #tpu.memory_space<vmem>> -> memref<125xi32, #tpu.memory_space<vmem>>
      %dma_start3A_64 = arith.constant 0 : i32
      %dma_start3A_65 = arith.constant 0 : i32
      %dma_start3A_66 = tpu.memref_slice %arg2[%dma_start3A_64, %dma_start3A_65] : memref<10000x128xf32, #tpu.memory_space<hbm>> -> memref<10000x128xf32, #tpu.memory_space<hbm>>
      tpu.enqueue_indirect_dma source(%dma_start3A_66 : memref<10000x128xf32, #tpu.memory_space<hbm>>) target(%arg10 : memref<125x128xf32, #tpu.memory_space<vmem>>) offsets(%dma_start3A_63 : memref<125xi32, #tpu.memory_space<vmem>>) semaphore(%arg13 : memref<!tpu.dma_semaphore, #tpu.memory_space<semaphore_mem>>)
      "tpu.region"() ({
        %run_scoped3A = tpu.sem_alloc : memref<!tpu.dma_semaphore, #tpu.memory_space<semaphore_mem>>
        %dma_start3A_81 = arith.constant 0 : i32
        %dma_start3A_82 = tpu.memref_slice %arg8[%mul3A_53, %dma_start3A_81] : memref<40x125xi32, #tpu.memory_space<vmem>> -> memref<1x125xi32, #tpu.memory_space<vmem>>
        %dma_start3A_83 = tpu.memref_squeeze %dma_start3A_82 : memref<1x125xi32, #tpu.memory_space<vmem>> -> memref<125xi32, #tpu.memory_space<vmem>>
        %dma_start3A_84 = arith.constant 0 : i32
        %dma_start3A_85 = arith.constant 0 : i32
        %dma_start3A_86 = tpu.memref_slice %arg11[%dma_start3A_84, %dma_start3A_85] : memref<10000x128xf32, #tpu.memory_space<vmem_shared>> -> memref<10000x128xf32, #tpu.memory_space<vmem_shared>>
        tpu.enqueue_indirect_dma source(%arg9 : memref<125x128xf32, #tpu.memory_space<vmem>>) target(%dma_start3A_86 : memref<10000x128xf32, #tpu.memory_space<vmem_shared>>) offsets(%dma_start3A_83 : memref<125xi32, #tpu.memory_space<vmem>>) semaphore(%run_scoped3A : memref<!tpu.dma_semaphore, #tpu.memory_space<semaphore_mem>>) {add = true}
        %dma_wait3A_87 = arith.constant 0 : i32
        %dma_wait3A_88 = tpu.memref_slice %arg8[%mul3A_53, %dma_wait3A_87] : memref<40x125xi32, #tpu.memory_space<vmem>> -> memref<1x125xi32, #tpu.memory_space<vmem>>
        %dma_wait3A_89 = tpu.memref_squeeze %dma_wait3A_88 : memref<1x125xi32, #tpu.memory_space<vmem>> -> memref<125xi32, #tpu.memory_space<vmem>>
        %dma_wait3A_90 = arith.constant 0 : i32
        %dma_wait3A_91 = arith.constant 0 : i32
        %dma_wait3A_92 = tpu.memref_slice %arg11[%dma_wait3A_90, %dma_wait3A_91] : memref<10000x128xf32, #tpu.memory_space<vmem_shared>> -> memref<10000x128xf32, #tpu.memory_space<vmem_shared>>
        tpu.wait_indirect_dma semaphore(%run_scoped3A : memref<!tpu.dma_semaphore, #tpu.memory_space<semaphore_mem>>) src(%arg9 : memref<125x128xf32, #tpu.memory_space<vmem>>) dst(%dma_wait3A_92 : memref<10000x128xf32, #tpu.memory_space<vmem_shared>>)
        tpu.yield
      }) : () -> ()
      %lt3A = arith.constant 19 : i32
      %lt3A_67 = arith.cmpi slt, %scan3A_51, %lt3A : i32
      %convert_element_type3A_68 = arith.extui %lt3A_67 : i1 to i32
      %cond3A_69 = arith.constant 0 : i32
      %cond3A_70 = arith.cmpi ne, %convert_element_type3A_68, %cond3A_69 : i32
      scf.if %cond3A_70 {
        %add3A_81 = arith.constant 2 : i32
        %add3A_82 = arith.addi %mul3A_53, %add3A_81 : i32
        %dma_start3A_83 = arith.constant 0 : i32
        %dma_start3A_84 = tpu.memref_slice %arg7[%add3A_82, %dma_start3A_83] : memref<40x125xi32, #tpu.memory_space<vmem>> -> memref<1x125xi32, #tpu.memory_space<vmem>>
        %dma_start3A_85 = tpu.memref_squeeze %dma_start3A_84 : memref<1x125xi32, #tpu.memory_space<vmem>> -> memref<125xi32, #tpu.memory_space<vmem>>
        %dma_start3A_86 = arith.constant 0 : i32
        %dma_start3A_87 = arith.constant 0 : i32
        %dma_start3A_88 = tpu.memref_slice %arg2[%dma_start3A_86, %dma_start3A_87] : memref<10000x128xf32, #tpu.memory_space<hbm>> -> memref<10000x128xf32, #tpu.memory_space<hbm>>
        tpu.enqueue_indirect_dma source(%dma_start3A_88 : memref<10000x128xf32, #tpu.memory_space<hbm>>) target(%arg9 : memref<125x128xf32, #tpu.memory_space<vmem>>) offsets(%dma_start3A_85 : memref<125xi32, #tpu.memory_space<vmem>>) semaphore(%arg12 : memref<!tpu.dma_semaphore, #tpu.memory_space<semaphore_mem>>)
      } else {
      }
      %add3A_71 = arith.constant 1 : i32
      %add3A_72 = arith.addi %mul3A_53, %add3A_71 : i32
      %dma_wait3A_73 = arith.constant 0 : i32
      %dma_wait3A_74 = tpu.memref_slice %arg7[%add3A_72, %dma_wait3A_73] : memref<40x125xi32, #tpu.memory_space<vmem>> -> memref<1x125xi32, #tpu.memory_space<vmem>>
      %dma_wait3A_75 = tpu.memref_squeeze %dma_wait3A_74 : memref<1x125xi32, #tpu.memory_space<vmem>> -> memref<125xi32, #tpu.memory_space<vmem>>
      %dma_wait3A_76 = arith.constant 0 : i32
      %dma_wait3A_77 = arith.constant 0 : i32
      %dma_wait3A_78 = tpu.memref_slice %arg2[%dma_wait3A_76, %dma_wait3A_77] : memref<10000x128xf32, #tpu.memory_space<hbm>> -> memref<10000x128xf32, #tpu.memory_space<hbm>>
      tpu.wait_indirect_dma semaphore(%arg13 : memref<!tpu.dma_semaphore, #tpu.memory_space<semaphore_mem>>) src(%dma_wait3A_78 : memref<10000x128xf32, #tpu.memory_space<hbm>>) dst(%arg10 : memref<125x128xf32, #tpu.memory_space<vmem>>)
      %add3A_79 = arith.constant 1 : i32
      %add3A_80 = arith.addi %mul3A_53, %add3A_79 : i32
      "tpu.region"() ({
        %run_scoped3A = tpu.sem_alloc : memref<!tpu.dma_semaphore, #tpu.memory_space<semaphore_mem>>
        %dma_start3A_81 = arith.constant 0 : i32
        %dma_start3A_82 = tpu.memref_slice %arg8[%add3A_80, %dma_start3A_81] : memref<40x125xi32, #tpu.memory_space<vmem>> -> memref<1x125xi32, #tpu.memory_space<vmem>>
        %dma_start3A_83 = tpu.memref_squeeze %dma_start3A_82 : memref<1x125xi32, #tpu.memory_space<vmem>> -> memref<125xi32, #tpu.memory_space<vmem>>
        %dma_start3A_84 = arith.constant 0 : i32
        %dma_start3A_85 = arith.constant 0 : i32
        %dma_start3A_86 = tpu.memref_slice %arg11[%dma_start3A_84, %dma_start3A_85] : memref<10000x128xf32, #tpu.memory_space<vmem_shared>> -> memref<10000x128xf32, #tpu.memory_space<vmem_shared>>
        tpu.enqueue_indirect_dma source(%arg10 : memref<125x128xf32, #tpu.memory_space<vmem>>) target(%dma_start3A_86 : memref<10000x128xf32, #tpu.memory_space<vmem_shared>>) offsets(%dma_start3A_83 : memref<125xi32, #tpu.memory_space<vmem>>) semaphore(%run_scoped3A : memref<!tpu.dma_semaphore, #tpu.memory_space<semaphore_mem>>) {add = true}
        %dma_wait3A_87 = arith.constant 0 : i32
        %dma_wait3A_88 = tpu.memref_slice %arg8[%add3A_80, %dma_wait3A_87] : memref<40x125xi32, #tpu.memory_space<vmem>> -> memref<1x125xi32, #tpu.memory_space<vmem>>
        %dma_wait3A_89 = tpu.memref_squeeze %dma_wait3A_88 : memref<1x125xi32, #tpu.memory_space<vmem>> -> memref<125xi32, #tpu.memory_space<vmem>>
        %dma_wait3A_90 = arith.constant 0 : i32
        %dma_wait3A_91 = arith.constant 0 : i32
        %dma_wait3A_92 = tpu.memref_slice %arg11[%dma_wait3A_90, %dma_wait3A_91] : memref<10000x128xf32, #tpu.memory_space<vmem_shared>> -> memref<10000x128xf32, #tpu.memory_space<vmem_shared>>
        tpu.wait_indirect_dma semaphore(%run_scoped3A : memref<!tpu.dma_semaphore, #tpu.memory_space<semaphore_mem>>) src(%arg10 : memref<125x128xf32, #tpu.memory_space<vmem>>) dst(%dma_wait3A_92 : memref<10000x128xf32, #tpu.memory_space<vmem_shared>>)
        tpu.yield
      }) : () -> ()
    }
    %scan3A_23 = arith.constant 20 : i32
    %mul3A_24 = arith.constant 80 : i32
    %mul3A_25 = arith.muli %add3A, %mul3A_24 : i32
    %add3A_26 = arith.constant 40 : i32
    %add3A_27 = arith.addi %mul3A_25, %add3A_26 : i32
    "tpu.region"() ({
      %run_scoped3A = tpu.sem_alloc : memref<!tpu.dma_semaphore, #tpu.memory_space<semaphore_mem>>
      %dma_start3A_51 = arith.constant 0 : i32
      %dma_start3A_52 = tpu.memref_slice %arg3[%add3A_27, %dma_start3A_51] : memref<2560x125xi32, #tpu.memory_space<hbm>> -> memref<40x125xi32, #tpu.memory_space<hbm>>
      %dma_start3A_53 = arith.constant 0 : i32
      %dma_start3A_54 = tpu.memref_slice %arg3[%add3A_27, %dma_start3A_53] : memref<2560x125xi32, #tpu.memory_space<hbm>> -> memref<40x125xi32, #tpu.memory_space<hbm>>
      tpu.enqueue_dma source(%dma_start3A_54 : memref<40x125xi32, #tpu.memory_space<hbm>>) target(%arg7 : memref<40x125xi32, #tpu.memory_space<vmem>>) target_semaphore(%run_scoped3A : memref<!tpu.dma_semaphore, #tpu.memory_space<semaphore_mem>>)
      %dma_wait3A = arith.constant 0 : i32
      %dma_wait3A_55 = tpu.memref_slice %arg3[%add3A_27, %dma_wait3A] : memref<2560x125xi32, #tpu.memory_space<hbm>> -> memref<40x125xi32, #tpu.memory_space<hbm>>
      %dma_wait3A_56 = arith.constant 0 : i32
      %dma_wait3A_57 = tpu.memref_slice %arg3[%add3A_27, %dma_wait3A_56] : memref<2560x125xi32, #tpu.memory_space<hbm>> -> memref<40x125xi32, #tpu.memory_space<hbm>>
      tpu.wait_dma2 semaphore(%run_scoped3A : memref<!tpu.dma_semaphore, #tpu.memory_space<semaphore_mem>>) src(%dma_wait3A_57 : memref<40x125xi32, #tpu.memory_space<hbm>>) dst(%arg7 : memref<40x125xi32, #tpu.memory_space<vmem>>)
      tpu.yield
    }) : () -> ()
    %mul3A_28 = arith.constant 80 : i32
    %mul3A_29 = arith.muli %add3A, %mul3A_28 : i32
    %add3A_30 = arith.constant 40 : i32
    %add3A_31 = arith.addi %mul3A_29, %add3A_30 : i32
    "tpu.region"() ({
      %run_scoped3A = tpu.sem_alloc : memref<!tpu.dma_semaphore, #tpu.memory_space<semaphore_mem>>
      %dma_start3A_51 = arith.constant 0 : i32
      %dma_start3A_52 = tpu.memref_slice %arg4[%add3A_31, %dma_start3A_51] : memref<2560x125xi32, #tpu.memory_space<hbm>> -> memref<40x125xi32, #tpu.memory_space<hbm>>
      %dma_start3A_53 = arith.constant 0 : i32
      %dma_start3A_54 = tpu.memref_slice %arg4[%add3A_31, %dma_start3A_53] : memref<2560x125xi32, #tpu.memory_space<hbm>> -> memref<40x125xi32, #tpu.memory_space<hbm>>
      tpu.enqueue_dma source(%dma_start3A_54 : memref<40x125xi32, #tpu.memory_space<hbm>>) target(%arg8 : memref<40x125xi32, #tpu.memory_space<vmem>>) target_semaphore(%run_scoped3A : memref<!tpu.dma_semaphore, #tpu.memory_space<semaphore_mem>>)
      %dma_wait3A = arith.constant 0 : i32
      %dma_wait3A_55 = tpu.memref_slice %arg4[%add3A_31, %dma_wait3A] : memref<2560x125xi32, #tpu.memory_space<hbm>> -> memref<40x125xi32, #tpu.memory_space<hbm>>
      %dma_wait3A_56 = arith.constant 0 : i32
      %dma_wait3A_57 = tpu.memref_slice %arg4[%add3A_31, %dma_wait3A_56] : memref<2560x125xi32, #tpu.memory_space<hbm>> -> memref<40x125xi32, #tpu.memory_space<hbm>>
      tpu.wait_dma2 semaphore(%run_scoped3A : memref<!tpu.dma_semaphore, #tpu.memory_space<semaphore_mem>>) src(%dma_wait3A_57 : memref<40x125xi32, #tpu.memory_space<hbm>>) dst(%arg8 : memref<40x125xi32, #tpu.memory_space<vmem>>)
      tpu.yield
    }) : () -> ()
    %dma_start3A_32 = arith.constant 0 : i32
    %dma_start3A_33 = arith.constant 0 : i32
    %dma_start3A_34 = tpu.memref_slice %arg7[%dma_start3A_32, %dma_start3A_33] : memref<40x125xi32, #tpu.memory_space<vmem>> -> memref<1x125xi32, #tpu.memory_space<vmem>>
    %dma_start3A_35 = tpu.memref_squeeze %dma_start3A_34 : memref<1x125xi32, #tpu.memory_space<vmem>> -> memref<125xi32, #tpu.memory_space<vmem>>
    %dma_start3A_36 = arith.constant 0 : i32
    %dma_start3A_37 = arith.constant 0 : i32
    %dma_start3A_38 = tpu.memref_slice %arg2[%dma_start3A_36, %dma_start3A_37] : memref<10000x128xf32, #tpu.memory_space<hbm>> -> memref<10000x128xf32, #tpu.memory_space<hbm>>
    tpu.enqueue_indirect_dma source(%dma_start3A_38 : memref<10000x128xf32, #tpu.memory_space<hbm>>) target(%arg9 : memref<125x128xf32, #tpu.memory_space<vmem>>) offsets(%dma_start3A_35 : memref<125xi32, #tpu.memory_space<vmem>>) semaphore(%arg12 : memref<!tpu.dma_semaphore, #tpu.memory_space<semaphore_mem>>)
    %scan3A_39 = arith.constant 0 : i32
    %scan3A_40 = arith.constant 0 : i32
    %scan3A_41 = arith.constant 20 : i32
    %scan3A_42 = arith.addi %scan3A_40, %scan3A_41 : i32
    %scan3A_43 = arith.constant 1 : i32
    scf.for %scan3A_51 = %scan3A_40 to %scan3A_42 step %scan3A_43  : i32 {
      %mul3A_52 = arith.constant 2 : i32
      %mul3A_53 = arith.muli %mul3A_52, %scan3A_51 : i32
      %dma_wait3A = arith.constant 0 : i32
      %dma_wait3A_54 = tpu.memref_slice %arg7[%mul3A_53, %dma_wait3A] : memref<40x125xi32, #tpu.memory_space<vmem>> -> memref<1x125xi32, #tpu.memory_space<vmem>>
      %dma_wait3A_55 = tpu.memref_squeeze %dma_wait3A_54 : memref<1x125xi32, #tpu.memory_space<vmem>> -> memref<125xi32, #tpu.memory_space<vmem>>
      %dma_wait3A_56 = arith.constant 0 : i32
      %dma_wait3A_57 = arith.constant 0 : i32
      %dma_wait3A_58 = tpu.memref_slice %arg2[%dma_wait3A_56, %dma_wait3A_57] : memref<10000x128xf32, #tpu.memory_space<hbm>> -> memref<10000x128xf32, #tpu.memory_space<hbm>>
      tpu.wait_indirect_dma semaphore(%arg12 : memref<!tpu.dma_semaphore, #tpu.memory_space<semaphore_mem>>) src(%dma_wait3A_58 : memref<10000x128xf32, #tpu.memory_space<hbm>>) dst(%arg9 : memref<125x128xf32, #tpu.memory_space<vmem>>)
      %add3A_59 = arith.constant 1 : i32
      %add3A_60 = arith.addi %mul3A_53, %add3A_59 : i32
      %dma_start3A_61 = arith.constant 0 : i32
      %dma_start3A_62 = tpu.memref_slice %arg7[%add3A_60, %dma_start3A_61] : memref<40x125xi32, #tpu.memory_space<vmem>> -> memref<1x125xi32, #tpu.memory_space<vmem>>
      %dma_start3A_63 = tpu.memref_squeeze %dma_start3A_62 : memref<1x125xi32, #tpu.memory_space<vmem>> -> memref<125xi32, #tpu.memory_space<vmem>>
      %dma_start3A_64 = arith.constant 0 : i32
      %dma_start3A_65 = arith.constant 0 : i32
      %dma_start3A_66 = tpu.memref_slice %arg2[%dma_start3A_64, %dma_start3A_65] : memref<10000x128xf32, #tpu.memory_space<hbm>> -> memref<10000x128xf32, #tpu.memory_space<hbm>>
      tpu.enqueue_indirect_dma source(%dma_start3A_66 : memref<10000x128xf32, #tpu.memory_space<hbm>>) target(%arg10 : memref<125x128xf32, #tpu.memory_space<vmem>>) offsets(%dma_start3A_63 : memref<125xi32, #tpu.memory_space<vmem>>) semaphore(%arg13 : memref<!tpu.dma_semaphore, #tpu.memory_space<semaphore_mem>>)
      "tpu.region"() ({
        %run_scoped3A = tpu.sem_alloc : memref<!tpu.dma_semaphore, #tpu.memory_space<semaphore_mem>>
        %dma_start3A_81 = arith.constant 0 : i32
        %dma_start3A_82 = tpu.memref_slice %arg8[%mul3A_53, %dma_start3A_81] : memref<40x125xi32, #tpu.memory_space<vmem>> -> memref<1x125xi32, #tpu.memory_space<vmem>>
        %dma_start3A_83 = tpu.memref_squeeze %dma_start3A_82 : memref<1x125xi32, #tpu.memory_space<vmem>> -> memref<125xi32, #tpu.memory_space<vmem>>
        %dma_start3A_84 = arith.constant 0 : i32
        %dma_start3A_85 = arith.constant 0 : i32
        %dma_start3A_86 = tpu.memref_slice %arg11[%dma_start3A_84, %dma_start3A_85] : memref<10000x128xf32, #tpu.memory_space<vmem_shared>> -> memref<10000x128xf32, #tpu.memory_space<vmem_shared>>
        tpu.enqueue_indirect_dma source(%arg9 : memref<125x128xf32, #tpu.memory_space<vmem>>) target(%dma_start3A_86 : memref<10000x128xf32, #tpu.memory_space<vmem_shared>>) offsets(%dma_start3A_83 : memref<125xi32, #tpu.memory_space<vmem>>) semaphore(%run_scoped3A : memref<!tpu.dma_semaphore, #tpu.memory_space<semaphore_mem>>) {add = true}
        %dma_wait3A_87 = arith.constant 0 : i32
        %dma_wait3A_88 = tpu.memref_slice %arg8[%mul3A_53, %dma_wait3A_87] : memref<40x125xi32, #tpu.memory_space<vmem>> -> memref<1x125xi32, #tpu.memory_space<vmem>>
        %dma_wait3A_89 = tpu.memref_squeeze %dma_wait3A_88 : memref<1x125xi32, #tpu.memory_space<vmem>> -> memref<125xi32, #tpu.memory_space<vmem>>
        %dma_wait3A_90 = arith.constant 0 : i32
        %dma_wait3A_91 = arith.constant 0 : i32
        %dma_wait3A_92 = tpu.memref_slice %arg11[%dma_wait3A_90, %dma_wait3A_91] : memref<10000x128xf32, #tpu.memory_space<vmem_shared>> -> memref<10000x128xf32, #tpu.memory_space<vmem_shared>>
        tpu.wait_indirect_dma semaphore(%run_scoped3A : memref<!tpu.dma_semaphore, #tpu.memory_space<semaphore_mem>>) src(%arg9 : memref<125x128xf32, #tpu.memory_space<vmem>>) dst(%dma_wait3A_92 : memref<10000x128xf32, #tpu.memory_space<vmem_shared>>)
        tpu.yield
      }) : () -> ()
      %lt3A = arith.constant 19 : i32
      %lt3A_67 = arith.cmpi slt, %scan3A_51, %lt3A : i32
      %convert_element_type3A_68 = arith.extui %lt3A_67 : i1 to i32
      %cond3A_69 = arith.constant 0 : i32
      %cond3A_70 = arith.cmpi ne, %convert_element_type3A_68, %cond3A_69 : i32
      scf.if %cond3A_70 {
        %add3A_81 = arith.constant 2 : i32
        %add3A_82 = arith.addi %mul3A_53, %add3A_81 : i32
        %dma_start3A_83 = arith.constant 0 : i32
        %dma_start3A_84 = tpu.memref_slice %arg7[%add3A_82, %dma_start3A_83] : memref<40x125xi32, #tpu.memory_space<vmem>> -> memref<1x125xi32, #tpu.memory_space<vmem>>
        %dma_start3A_85 = tpu.memref_squeeze %dma_start3A_84 : memref<1x125xi32, #tpu.memory_space<vmem>> -> memref<125xi32, #tpu.memory_space<vmem>>
        %dma_start3A_86 = arith.constant 0 : i32
        %dma_start3A_87 = arith.constant 0 : i32
        %dma_start3A_88 = tpu.memref_slice %arg2[%dma_start3A_86, %dma_start3A_87] : memref<10000x128xf32, #tpu.memory_space<hbm>> -> memref<10000x128xf32, #tpu.memory_space<hbm>>
        tpu.enqueue_indirect_dma source(%dma_start3A_88 : memref<10000x128xf32, #tpu.memory_space<hbm>>) target(%arg9 : memref<125x128xf32, #tpu.memory_space<vmem>>) offsets(%dma_start3A_85 : memref<125xi32, #tpu.memory_space<vmem>>) semaphore(%arg12 : memref<!tpu.dma_semaphore, #tpu.memory_space<semaphore_mem>>)
      } else {
      }
      %add3A_71 = arith.constant 1 : i32
      %add3A_72 = arith.addi %mul3A_53, %add3A_71 : i32
      %dma_wait3A_73 = arith.constant 0 : i32
      %dma_wait3A_74 = tpu.memref_slice %arg7[%add3A_72, %dma_wait3A_73] : memref<40x125xi32, #tpu.memory_space<vmem>> -> memref<1x125xi32, #tpu.memory_space<vmem>>
      %dma_wait3A_75 = tpu.memref_squeeze %dma_wait3A_74 : memref<1x125xi32, #tpu.memory_space<vmem>> -> memref<125xi32, #tpu.memory_space<vmem>>
      %dma_wait3A_76 = arith.constant 0 : i32
      %dma_wait3A_77 = arith.constant 0 : i32
      %dma_wait3A_78 = tpu.memref_slice %arg2[%dma_wait3A_76, %dma_wait3A_77] : memref<10000x128xf32, #tpu.memory_space<hbm>> -> memref<10000x128xf32, #tpu.memory_space<hbm>>
      tpu.wait_indirect_dma semaphore(%arg13 : memref<!tpu.dma_semaphore, #tpu.memory_space<semaphore_mem>>) src(%dma_wait3A_78 : memref<10000x128xf32, #tpu.memory_space<hbm>>) dst(%arg10 : memref<125x128xf32, #tpu.memory_space<vmem>>)
      %add3A_79 = arith.constant 1 : i32
      %add3A_80 = arith.addi %mul3A_53, %add3A_79 : i32
      "tpu.region"() ({
        %run_scoped3A = tpu.sem_alloc : memref<!tpu.dma_semaphore, #tpu.memory_space<semaphore_mem>>
        %dma_start3A_81 = arith.constant 0 : i32
        %dma_start3A_82 = tpu.memref_slice %arg8[%add3A_80, %dma_start3A_81] : memref<40x125xi32, #tpu.memory_space<vmem>> -> memref<1x125xi32, #tpu.memory_space<vmem>>
        %dma_start3A_83 = tpu.memref_squeeze %dma_start3A_82 : memref<1x125xi32, #tpu.memory_space<vmem>> -> memref<125xi32, #tpu.memory_space<vmem>>
        %dma_start3A_84 = arith.constant 0 : i32
        %dma_start3A_85 = arith.constant 0 : i32
        %dma_start3A_86 = tpu.memref_slice %arg11[%dma_start3A_84, %dma_start3A_85] : memref<10000x128xf32, #tpu.memory_space<vmem_shared>> -> memref<10000x128xf32, #tpu.memory_space<vmem_shared>>
        tpu.enqueue_indirect_dma source(%arg10 : memref<125x128xf32, #tpu.memory_space<vmem>>) target(%dma_start3A_86 : memref<10000x128xf32, #tpu.memory_space<vmem_shared>>) offsets(%dma_start3A_83 : memref<125xi32, #tpu.memory_space<vmem>>) semaphore(%run_scoped3A : memref<!tpu.dma_semaphore, #tpu.memory_space<semaphore_mem>>) {add = true}
        %dma_wait3A_87 = arith.constant 0 : i32
        %dma_wait3A_88 = tpu.memref_slice %arg8[%add3A_80, %dma_wait3A_87] : memref<40x125xi32, #tpu.memory_space<vmem>> -> memref<1x125xi32, #tpu.memory_space<vmem>>
        %dma_wait3A_89 = tpu.memref_squeeze %dma_wait3A_88 : memref<1x125xi32, #tpu.memory_space<vmem>> -> memref<125xi32, #tpu.memory_space<vmem>>
        %dma_wait3A_90 = arith.constant 0 : i32
        %dma_wait3A_91 = arith.constant 0 : i32
        %dma_wait3A_92 = tpu.memref_slice %arg11[%dma_wait3A_90, %dma_wait3A_91] : memref<10000x128xf32, #tpu.memory_space<vmem_shared>> -> memref<10000x128xf32, #tpu.memory_space<vmem_shared>>
        tpu.wait_indirect_dma semaphore(%run_scoped3A : memref<!tpu.dma_semaphore, #tpu.memory_space<semaphore_mem>>) src(%arg10 : memref<125x128xf32, #tpu.memory_space<vmem>>) dst(%dma_wait3A_92 : memref<10000x128xf32, #tpu.memory_space<vmem_shared>>)
        tpu.yield
      }) : () -> ()
    }
    %scan3A_44 = arith.constant 20 : i32
    %barrier3A_45 = arith.constant 0 : index
    tpu.barrier barrier_id(%barrier3A_45)
    "tpu.region"() ({
      %run_scoped3A = tpu.sem_alloc : memref<!tpu.dma_semaphore, #tpu.memory_space<semaphore_mem>>
      %dma_start3A_51 = arith.constant 0 : i32
      %dma_start3A_52 = tpu.memref_slice %arg6[%arg0, %mul3A_2, %dma_start3A_51] : memref<2x10000x128xf32, #tpu.memory_space<hbm>> -> memref<1x624x128xf32, #tpu.memory_space<hbm>>
      %dma_start3A_53 = tpu.memref_squeeze %dma_start3A_52 : memref<1x624x128xf32, #tpu.memory_space<hbm>> -> memref<624x128xf32, #tpu.memory_space<hbm>>
      %dma_start3A_54 = arith.constant 0 : i32
      %dma_start3A_55 = tpu.memref_slice %arg11[%mul3A_2, %dma_start3A_54] : memref<10000x128xf32, #tpu.memory_space<vmem_shared>> -> memref<624x128xf32, #tpu.memory_space<vmem_shared>>
      tpu.enqueue_dma source(%dma_start3A_55 : memref<624x128xf32, #tpu.memory_space<vmem_shared>>) target(%dma_start3A_53 : memref<624x128xf32, #tpu.memory_space<hbm>>) target_semaphore(%run_scoped3A : memref<!tpu.dma_semaphore, #tpu.memory_space<semaphore_mem>>)
      %dma_wait3A = arith.constant 0 : i32
      %dma_wait3A_56 = tpu.memref_slice %arg6[%arg0, %mul3A_2, %dma_wait3A] : memref<2x10000x128xf32, #tpu.memory_space<hbm>> -> memref<1x624x128xf32, #tpu.memory_space<hbm>>
      %dma_wait3A_57 = tpu.memref_squeeze %dma_wait3A_56 : memref<1x624x128xf32, #tpu.memory_space<hbm>> -> memref<624x128xf32, #tpu.memory_space<hbm>>
      %dma_wait3A_58 = arith.constant 0 : i32
      %dma_wait3A_59 = tpu.memref_slice %arg11[%mul3A_2, %dma_wait3A_58] : memref<10000x128xf32, #tpu.memory_space<vmem_shared>> -> memref<624x128xf32, #tpu.memory_space<vmem_shared>>
      tpu.wait_dma2 semaphore(%run_scoped3A : memref<!tpu.dma_semaphore, #tpu.memory_space<semaphore_mem>>) src(%dma_wait3A_59 : memref<624x128xf32, #tpu.memory_space<vmem_shared>>) dst(%dma_wait3A_57 : memref<624x128xf32, #tpu.memory_space<hbm>>)
      tpu.yield
    }) : () -> ()
    %eq3A_46 = arith.constant 15 : i32
    %eq3A_47 = arith.cmpi eq, %arg1, %eq3A_46 : i32
    %convert_element_type3A_48 = arith.extui %eq3A_47 : i1 to i32
    %cond3A_49 = arith.constant 0 : i32
    %cond3A_50 = arith.cmpi ne, %convert_element_type3A_48, %cond3A_49 : i32
    scf.if %cond3A_50 {
      "tpu.region"() ({
        %run_scoped3A = tpu.sem_alloc : memref<!tpu.dma_semaphore, #tpu.memory_space<semaphore_mem>>
        %dma_start3A_51 = arith.constant 9984 : i32
        %dma_start3A_52 = arith.constant 0 : i32
        %dma_start3A_53 = tpu.memref_slice %arg6[%arg0, %dma_start3A_51, %dma_start3A_52] : memref<2x10000x128xf32, #tpu.memory_space<hbm>> -> memref<1x16x128xf32, #tpu.memory_space<hbm>>
        %dma_start3A_54 = tpu.memref_squeeze %dma_start3A_53 : memref<1x16x128xf32, #tpu.memory_space<hbm>> -> memref<16x128xf32, #tpu.memory_space<hbm>>
        %dma_start3A_55 = arith.constant 9984 : i32
        %dma_start3A_56 = arith.constant 0 : i32
        %dma_start3A_57 = tpu.memref_slice %arg11[%dma_start3A_55, %dma_start3A_56] : memref<10000x128xf32, #tpu.memory_space<vmem_shared>> -> memref<16x128xf32, #tpu.memory_space<vmem_shared>>
        tpu.enqueue_dma source(%dma_start3A_57 : memref<16x128xf32, #tpu.memory_space<vmem_shared>>) target(%dma_start3A_54 : memref<16x128xf32, #tpu.memory_space<hbm>>) target_semaphore(%run_scoped3A : memref<!tpu.dma_semaphore, #tpu.memory_space<semaphore_mem>>)
        %dma_wait3A = arith.constant 9984 : i32
        %dma_wait3A_58 = arith.constant 0 : i32
        %dma_wait3A_59 = tpu.memref_slice %arg6[%arg0, %dma_wait3A, %dma_wait3A_58] : memref<2x10000x128xf32, #tpu.memory_space<hbm>> -> memref<1x16x128xf32, #tpu.memory_space<hbm>>
        %dma_wait3A_60 = tpu.memref_squeeze %dma_wait3A_59 : memref<1x16x128xf32, #tpu.memory_space<hbm>> -> memref<16x128xf32, #tpu.memory_space<hbm>>
        %dma_wait3A_61 = arith.constant 9984 : i32
        %dma_wait3A_62 = arith.constant 0 : i32
        %dma_wait3A_63 = tpu.memref_slice %arg11[%dma_wait3A_61, %dma_wait3A_62] : memref<10000x128xf32, #tpu.memory_space<vmem_shared>> -> memref<16x128xf32, #tpu.memory_space<vmem_shared>>
        tpu.wait_dma2 semaphore(%run_scoped3A : memref<!tpu.dma_semaphore, #tpu.memory_space<semaphore_mem>>) src(%dma_wait3A_63 : memref<16x128xf32, #tpu.memory_space<vmem_shared>>) dst(%dma_wait3A_60 : memref<16x128xf32, #tpu.memory_space<hbm>>)
        tpu.yield
      }) : () -> ()
    } else {
    }
    return
  }
}

#map = affine_map<(d0, d1) -> (0, 0)>
#map1 = affine_map<(d0, d1) -> (0, 0, 0)>
module attributes {stable_mosaic.version = 14 : i64} {
  func.func @_gather_body(%arg0: i32, %arg1: i32, %arg2: memref<10000x128xf32, #tpu.memory_space<hbm>>, %arg3: memref<32x10x128xi32, #tpu.memory_space<hbm>>, %arg4: memref<40960x128xf32, #tpu.memory_space<hbm>>, %arg5: memref<10x128xi32, #tpu.memory_space<vmem>>, %arg6: memref<128x128xf32, #tpu.memory_space<vmem>>, %arg7: memref<128x128xf32, #tpu.memory_space<vmem>>, %arg8: memref<!tpu.dma_semaphore, #tpu.memory_space<semaphore_mem>>, %arg9: memref<!tpu.dma_semaphore, #tpu.memory_space<semaphore_mem>>) attributes {dimension_semantics = [#tpu.dimension_semantics<core_parallel>, #tpu.dimension_semantics<subcore_parallel>], iteration_bounds = array<i64: 2, 16>, scalar_prefetch = 0 : i64, scratch_operands = 5 : i64, tpu.core_type = #tpu.core_type<sc_vector_subcore>, window_params = [{transform_indices = #map}, {transform_indices = #map1}, {transform_indices = #map}]} {
    %mul3A = arith.constant 2 : i32
    %mul3A_0 = arith.muli %arg1, %mul3A : i32
    %add3A = arith.addi %mul3A_0, %arg0 : i32
    "tpu.region"() ({
      %run_scoped3A = tpu.sem_alloc : memref<!tpu.dma_semaphore, #tpu.memory_space<semaphore_mem>>
      %dma_start3A_209 = arith.constant 0 : i32
      %dma_start3A_210 = arith.constant 0 : i32
      %dma_start3A_211 = tpu.memref_slice %arg3[%add3A, %dma_start3A_209, %dma_start3A_210] : memref<32x10x128xi32, #tpu.memory_space<hbm>> -> memref<1x10x128xi32, #tpu.memory_space<hbm>>
      %dma_start3A_212 = tpu.memref_squeeze %dma_start3A_211 : memref<1x10x128xi32, #tpu.memory_space<hbm>> -> memref<10x128xi32, #tpu.memory_space<hbm>>
      %dma_start3A_213 = arith.constant 0 : i32
      %dma_start3A_214 = arith.constant 0 : i32
      %dma_start3A_215 = tpu.memref_slice %arg3[%add3A, %dma_start3A_213, %dma_start3A_214] : memref<32x10x128xi32, #tpu.memory_space<hbm>> -> memref<1x10x128xi32, #tpu.memory_space<hbm>>
      %dma_start3A_216 = tpu.memref_squeeze %dma_start3A_215 : memref<1x10x128xi32, #tpu.memory_space<hbm>> -> memref<10x128xi32, #tpu.memory_space<hbm>>
      tpu.enqueue_dma source(%dma_start3A_216 : memref<10x128xi32, #tpu.memory_space<hbm>>) target(%arg5 : memref<10x128xi32, #tpu.memory_space<vmem>>) target_semaphore(%run_scoped3A : memref<!tpu.dma_semaphore, #tpu.memory_space<semaphore_mem>>)
      %dma_wait3A_217 = arith.constant 0 : i32
      %dma_wait3A_218 = arith.constant 0 : i32
      %dma_wait3A_219 = tpu.memref_slice %arg3[%add3A, %dma_wait3A_217, %dma_wait3A_218] : memref<32x10x128xi32, #tpu.memory_space<hbm>> -> memref<1x10x128xi32, #tpu.memory_space<hbm>>
      %dma_wait3A_220 = tpu.memref_squeeze %dma_wait3A_219 : memref<1x10x128xi32, #tpu.memory_space<hbm>> -> memref<10x128xi32, #tpu.memory_space<hbm>>
      %dma_wait3A_221 = arith.constant 0 : i32
      %dma_wait3A_222 = arith.constant 0 : i32
      %dma_wait3A_223 = tpu.memref_slice %arg3[%add3A, %dma_wait3A_221, %dma_wait3A_222] : memref<32x10x128xi32, #tpu.memory_space<hbm>> -> memref<1x10x128xi32, #tpu.memory_space<hbm>>
      %dma_wait3A_224 = tpu.memref_squeeze %dma_wait3A_223 : memref<1x10x128xi32, #tpu.memory_space<hbm>> -> memref<10x128xi32, #tpu.memory_space<hbm>>
      tpu.wait_dma2 semaphore(%run_scoped3A : memref<!tpu.dma_semaphore, #tpu.memory_space<semaphore_mem>>) src(%dma_wait3A_224 : memref<10x128xi32, #tpu.memory_space<hbm>>) dst(%arg5 : memref<10x128xi32, #tpu.memory_space<vmem>>)
      tpu.yield
    }) : () -> ()
    %dma_start3A = arith.constant 0 : i32
    %dma_start3A_1 = arith.constant 0 : i32
    %dma_start3A_2 = tpu.memref_slice %arg5[%dma_start3A, %dma_start3A_1] : memref<10x128xi32, #tpu.memory_space<vmem>> -> memref<1x128xi32, #tpu.memory_space<vmem>>
    %dma_start3A_3 = tpu.memref_squeeze %dma_start3A_2 : memref<1x128xi32, #tpu.memory_space<vmem>> -> memref<128xi32, #tpu.memory_space<vmem>>
    %dma_start3A_4 = arith.constant 0 : i32
    %dma_start3A_5 = arith.constant 0 : i32
    %dma_start3A_6 = tpu.memref_slice %arg2[%dma_start3A_4, %dma_start3A_5] : memref<10000x128xf32, #tpu.memory_space<hbm>> -> memref<10000x128xf32, #tpu.memory_space<hbm>>
    tpu.enqueue_indirect_dma source(%dma_start3A_6 : memref<10000x128xf32, #tpu.memory_space<hbm>>) target(%arg6 : memref<128x128xf32, #tpu.memory_space<vmem>>) offsets(%dma_start3A_3 : memref<128xi32, #tpu.memory_space<vmem>>) semaphore(%arg8 : memref<!tpu.dma_semaphore, #tpu.memory_space<semaphore_mem>>)
    %dma_wait3A = arith.constant 0 : i32
    %dma_wait3A_7 = arith.constant 0 : i32
    %dma_wait3A_8 = tpu.memref_slice %arg5[%dma_wait3A, %dma_wait3A_7] : memref<10x128xi32, #tpu.memory_space<vmem>> -> memref<1x128xi32, #tpu.memory_space<vmem>>
    %dma_wait3A_9 = tpu.memref_squeeze %dma_wait3A_8 : memref<1x128xi32, #tpu.memory_space<vmem>> -> memref<128xi32, #tpu.memory_space<vmem>>
    %dma_wait3A_10 = arith.constant 0 : i32
    %dma_wait3A_11 = arith.constant 0 : i32
    %dma_wait3A_12 = tpu.memref_slice %arg2[%dma_wait3A_10, %dma_wait3A_11] : memref<10000x128xf32, #tpu.memory_space<hbm>> -> memref<10000x128xf32, #tpu.memory_space<hbm>>
    tpu.wait_indirect_dma semaphore(%arg8 : memref<!tpu.dma_semaphore, #tpu.memory_space<semaphore_mem>>) src(%dma_wait3A_12 : memref<10000x128xf32, #tpu.memory_space<hbm>>) dst(%arg6 : memref<128x128xf32, #tpu.memory_space<vmem>>)
    %dma_start3A_13 = arith.constant 1 : i32
    %dma_start3A_14 = arith.constant 0 : i32
    %dma_start3A_15 = tpu.memref_slice %arg5[%dma_start3A_13, %dma_start3A_14] : memref<10x128xi32, #tpu.memory_space<vmem>> -> memref<1x128xi32, #tpu.memory_space<vmem>>
    %dma_start3A_16 = tpu.memref_squeeze %dma_start3A_15 : memref<1x128xi32, #tpu.memory_space<vmem>> -> memref<128xi32, #tpu.memory_space<vmem>>
    %dma_start3A_17 = arith.constant 0 : i32
    %dma_start3A_18 = arith.constant 0 : i32
    %dma_start3A_19 = tpu.memref_slice %arg2[%dma_start3A_17, %dma_start3A_18] : memref<10000x128xf32, #tpu.memory_space<hbm>> -> memref<10000x128xf32, #tpu.memory_space<hbm>>
    tpu.enqueue_indirect_dma source(%dma_start3A_19 : memref<10000x128xf32, #tpu.memory_space<hbm>>) target(%arg7 : memref<128x128xf32, #tpu.memory_space<vmem>>) offsets(%dma_start3A_16 : memref<128xi32, #tpu.memory_space<vmem>>) semaphore(%arg9 : memref<!tpu.dma_semaphore, #tpu.memory_space<semaphore_mem>>)
    %mul3A_20 = arith.constant 10 : i32
    %mul3A_21 = arith.muli %add3A, %mul3A_20 : i32
    %add3A_22 = arith.constant 0 : i32
    %add3A_23 = arith.addi %mul3A_21, %add3A_22 : i32
    %mul3A_24 = arith.constant 128 : i32
    %mul3A_25 = arith.muli %add3A_23, %mul3A_24 : i32
    "tpu.region"() ({
      %run_scoped3A = tpu.sem_alloc : memref<!tpu.dma_semaphore, #tpu.memory_space<semaphore_mem>>
      %dma_start3A_209 = arith.constant 0 : i32
      %dma_start3A_210 = tpu.memref_slice %arg4[%mul3A_25, %dma_start3A_209] : memref<40960x128xf32, #tpu.memory_space<hbm>> -> memref<128x128xf32, #tpu.memory_space<hbm>>
      %dma_start3A_211 = arith.constant 0 : i32
      %dma_start3A_212 = tpu.memref_slice %arg4[%mul3A_25, %dma_start3A_211] : memref<40960x128xf32, #tpu.memory_space<hbm>> -> memref<128x128xf32, #tpu.memory_space<hbm>>
      tpu.enqueue_dma source(%arg6 : memref<128x128xf32, #tpu.memory_space<vmem>>) target(%dma_start3A_212 : memref<128x128xf32, #tpu.memory_space<hbm>>) target_semaphore(%run_scoped3A : memref<!tpu.dma_semaphore, #tpu.memory_space<semaphore_mem>>)
      %dma_wait3A_213 = arith.constant 0 : i32
      %dma_wait3A_214 = tpu.memref_slice %arg4[%mul3A_25, %dma_wait3A_213] : memref<40960x128xf32, #tpu.memory_space<hbm>> -> memref<128x128xf32, #tpu.memory_space<hbm>>
      %dma_wait3A_215 = arith.constant 0 : i32
      %dma_wait3A_216 = tpu.memref_slice %arg4[%mul3A_25, %dma_wait3A_215] : memref<40960x128xf32, #tpu.memory_space<hbm>> -> memref<128x128xf32, #tpu.memory_space<hbm>>
      tpu.wait_dma2 semaphore(%run_scoped3A : memref<!tpu.dma_semaphore, #tpu.memory_space<semaphore_mem>>) src(%arg6 : memref<128x128xf32, #tpu.memory_space<vmem>>) dst(%dma_wait3A_216 : memref<128x128xf32, #tpu.memory_space<hbm>>)
      tpu.yield
    }) : () -> ()
    %dma_start3A_26 = arith.constant 2 : i32
    %dma_start3A_27 = arith.constant 0 : i32
    %dma_start3A_28 = tpu.memref_slice %arg5[%dma_start3A_26, %dma_start3A_27] : memref<10x128xi32, #tpu.memory_space<vmem>> -> memref<1x128xi32, #tpu.memory_space<vmem>>
    %dma_start3A_29 = tpu.memref_squeeze %dma_start3A_28 : memref<1x128xi32, #tpu.memory_space<vmem>> -> memref<128xi32, #tpu.memory_space<vmem>>
    %dma_start3A_30 = arith.constant 0 : i32
    %dma_start3A_31 = arith.constant 0 : i32
    %dma_start3A_32 = tpu.memref_slice %arg2[%dma_start3A_30, %dma_start3A_31] : memref<10000x128xf32, #tpu.memory_space<hbm>> -> memref<10000x128xf32, #tpu.memory_space<hbm>>
    tpu.enqueue_indirect_dma source(%dma_start3A_32 : memref<10000x128xf32, #tpu.memory_space<hbm>>) target(%arg6 : memref<128x128xf32, #tpu.memory_space<vmem>>) offsets(%dma_start3A_29 : memref<128xi32, #tpu.memory_space<vmem>>) semaphore(%arg8 : memref<!tpu.dma_semaphore, #tpu.memory_space<semaphore_mem>>)
    %dma_wait3A_33 = arith.constant 1 : i32
    %dma_wait3A_34 = arith.constant 0 : i32
    %dma_wait3A_35 = tpu.memref_slice %arg5[%dma_wait3A_33, %dma_wait3A_34] : memref<10x128xi32, #tpu.memory_space<vmem>> -> memref<1x128xi32, #tpu.memory_space<vmem>>
    %dma_wait3A_36 = tpu.memref_squeeze %dma_wait3A_35 : memref<1x128xi32, #tpu.memory_space<vmem>> -> memref<128xi32, #tpu.memory_space<vmem>>
    %dma_wait3A_37 = arith.constant 0 : i32
    %dma_wait3A_38 = arith.constant 0 : i32
    %dma_wait3A_39 = tpu.memref_slice %arg2[%dma_wait3A_37, %dma_wait3A_38] : memref<10000x128xf32, #tpu.memory_space<hbm>> -> memref<10000x128xf32, #tpu.memory_space<hbm>>
    tpu.wait_indirect_dma semaphore(%arg9 : memref<!tpu.dma_semaphore, #tpu.memory_space<semaphore_mem>>) src(%dma_wait3A_39 : memref<10000x128xf32, #tpu.memory_space<hbm>>) dst(%arg7 : memref<128x128xf32, #tpu.memory_space<vmem>>)
    %mul3A_40 = arith.constant 10 : i32
    %mul3A_41 = arith.muli %add3A, %mul3A_40 : i32
    %add3A_42 = arith.constant 0 : i32
    %add3A_43 = arith.addi %mul3A_41, %add3A_42 : i32
    %add3A_44 = arith.constant 1 : i32
    %add3A_45 = arith.addi %add3A_43, %add3A_44 : i32
    %mul3A_46 = arith.constant 128 : i32
    %mul3A_47 = arith.muli %add3A_45, %mul3A_46 : i32
    "tpu.region"() ({
      %run_scoped3A = tpu.sem_alloc : memref<!tpu.dma_semaphore, #tpu.memory_space<semaphore_mem>>
      %dma_start3A_209 = arith.constant 0 : i32
      %dma_start3A_210 = tpu.memref_slice %arg4[%mul3A_47, %dma_start3A_209] : memref<40960x128xf32, #tpu.memory_space<hbm>> -> memref<128x128xf32, #tpu.memory_space<hbm>>
      %dma_start3A_211 = arith.constant 0 : i32
      %dma_start3A_212 = tpu.memref_slice %arg4[%mul3A_47, %dma_start3A_211] : memref<40960x128xf32, #tpu.memory_space<hbm>> -> memref<128x128xf32, #tpu.memory_space<hbm>>
      tpu.enqueue_dma source(%arg7 : memref<128x128xf32, #tpu.memory_space<vmem>>) target(%dma_start3A_212 : memref<128x128xf32, #tpu.memory_space<hbm>>) target_semaphore(%run_scoped3A : memref<!tpu.dma_semaphore, #tpu.memory_space<semaphore_mem>>)
      %dma_wait3A_213 = arith.constant 0 : i32
      %dma_wait3A_214 = tpu.memref_slice %arg4[%mul3A_47, %dma_wait3A_213] : memref<40960x128xf32, #tpu.memory_space<hbm>> -> memref<128x128xf32, #tpu.memory_space<hbm>>
      %dma_wait3A_215 = arith.constant 0 : i32
      %dma_wait3A_216 = tpu.memref_slice %arg4[%mul3A_47, %dma_wait3A_215] : memref<40960x128xf32, #tpu.memory_space<hbm>> -> memref<128x128xf32, #tpu.memory_space<hbm>>
      tpu.wait_dma2 semaphore(%run_scoped3A : memref<!tpu.dma_semaphore, #tpu.memory_space<semaphore_mem>>) src(%arg7 : memref<128x128xf32, #tpu.memory_space<vmem>>) dst(%dma_wait3A_216 : memref<128x128xf32, #tpu.memory_space<hbm>>)
      tpu.yield
    }) : () -> ()
    %dma_wait3A_48 = arith.constant 2 : i32
    %dma_wait3A_49 = arith.constant 0 : i32
    %dma_wait3A_50 = tpu.memref_slice %arg5[%dma_wait3A_48, %dma_wait3A_49] : memref<10x128xi32, #tpu.memory_space<vmem>> -> memref<1x128xi32, #tpu.memory_space<vmem>>
    %dma_wait3A_51 = tpu.memref_squeeze %dma_wait3A_50 : memref<1x128xi32, #tpu.memory_space<vmem>> -> memref<128xi32, #tpu.memory_space<vmem>>
    %dma_wait3A_52 = arith.constant 0 : i32
    %dma_wait3A_53 = arith.constant 0 : i32
    %dma_wait3A_54 = tpu.memref_slice %arg2[%dma_wait3A_52, %dma_wait3A_53] : memref<10000x128xf32, #tpu.memory_space<hbm>> -> memref<10000x128xf32, #tpu.memory_space<hbm>>
    tpu.wait_indirect_dma semaphore(%arg8 : memref<!tpu.dma_semaphore, #tpu.memory_space<semaphore_mem>>) src(%dma_wait3A_54 : memref<10000x128xf32, #tpu.memory_space<hbm>>) dst(%arg6 : memref<128x128xf32, #tpu.memory_space<vmem>>)
    %dma_start3A_55 = arith.constant 3 : i32
    %dma_start3A_56 = arith.constant 0 : i32
    %dma_start3A_57 = tpu.memref_slice %arg5[%dma_start3A_55, %dma_start3A_56] : memref<10x128xi32, #tpu.memory_space<vmem>> -> memref<1x128xi32, #tpu.memory_space<vmem>>
    %dma_start3A_58 = tpu.memref_squeeze %dma_start3A_57 : memref<1x128xi32, #tpu.memory_space<vmem>> -> memref<128xi32, #tpu.memory_space<vmem>>
    %dma_start3A_59 = arith.constant 0 : i32
    %dma_start3A_60 = arith.constant 0 : i32
    %dma_start3A_61 = tpu.memref_slice %arg2[%dma_start3A_59, %dma_start3A_60] : memref<10000x128xf32, #tpu.memory_space<hbm>> -> memref<10000x128xf32, #tpu.memory_space<hbm>>
    tpu.enqueue_indirect_dma source(%dma_start3A_61 : memref<10000x128xf32, #tpu.memory_space<hbm>>) target(%arg7 : memref<128x128xf32, #tpu.memory_space<vmem>>) offsets(%dma_start3A_58 : memref<128xi32, #tpu.memory_space<vmem>>) semaphore(%arg9 : memref<!tpu.dma_semaphore, #tpu.memory_space<semaphore_mem>>)
    %mul3A_62 = arith.constant 10 : i32
    %mul3A_63 = arith.muli %add3A, %mul3A_62 : i32
    %add3A_64 = arith.constant 2 : i32
    %add3A_65 = arith.addi %mul3A_63, %add3A_64 : i32
    %mul3A_66 = arith.constant 128 : i32
    %mul3A_67 = arith.muli %add3A_65, %mul3A_66 : i32
    "tpu.region"() ({
      %run_scoped3A = tpu.sem_alloc : memref<!tpu.dma_semaphore, #tpu.memory_space<semaphore_mem>>
      %dma_start3A_209 = arith.constant 0 : i32
      %dma_start3A_210 = tpu.memref_slice %arg4[%mul3A_67, %dma_start3A_209] : memref<40960x128xf32, #tpu.memory_space<hbm>> -> memref<128x128xf32, #tpu.memory_space<hbm>>
      %dma_start3A_211 = arith.constant 0 : i32
      %dma_start3A_212 = tpu.memref_slice %arg4[%mul3A_67, %dma_start3A_211] : memref<40960x128xf32, #tpu.memory_space<hbm>> -> memref<128x128xf32, #tpu.memory_space<hbm>>
      tpu.enqueue_dma source(%arg6 : memref<128x128xf32, #tpu.memory_space<vmem>>) target(%dma_start3A_212 : memref<128x128xf32, #tpu.memory_space<hbm>>) target_semaphore(%run_scoped3A : memref<!tpu.dma_semaphore, #tpu.memory_space<semaphore_mem>>)
      %dma_wait3A_213 = arith.constant 0 : i32
      %dma_wait3A_214 = tpu.memref_slice %arg4[%mul3A_67, %dma_wait3A_213] : memref<40960x128xf32, #tpu.memory_space<hbm>> -> memref<128x128xf32, #tpu.memory_space<hbm>>
      %dma_wait3A_215 = arith.constant 0 : i32
      %dma_wait3A_216 = tpu.memref_slice %arg4[%mul3A_67, %dma_wait3A_215] : memref<40960x128xf32, #tpu.memory_space<hbm>> -> memref<128x128xf32, #tpu.memory_space<hbm>>
      tpu.wait_dma2 semaphore(%run_scoped3A : memref<!tpu.dma_semaphore, #tpu.memory_space<semaphore_mem>>) src(%arg6 : memref<128x128xf32, #tpu.memory_space<vmem>>) dst(%dma_wait3A_216 : memref<128x128xf32, #tpu.memory_space<hbm>>)
      tpu.yield
    }) : () -> ()
    %dma_start3A_68 = arith.constant 4 : i32
    %dma_start3A_69 = arith.constant 0 : i32
    %dma_start3A_70 = tpu.memref_slice %arg5[%dma_start3A_68, %dma_start3A_69] : memref<10x128xi32, #tpu.memory_space<vmem>> -> memref<1x128xi32, #tpu.memory_space<vmem>>
    %dma_start3A_71 = tpu.memref_squeeze %dma_start3A_70 : memref<1x128xi32, #tpu.memory_space<vmem>> -> memref<128xi32, #tpu.memory_space<vmem>>
    %dma_start3A_72 = arith.constant 0 : i32
    %dma_start3A_73 = arith.constant 0 : i32
    %dma_start3A_74 = tpu.memref_slice %arg2[%dma_start3A_72, %dma_start3A_73] : memref<10000x128xf32, #tpu.memory_space<hbm>> -> memref<10000x128xf32, #tpu.memory_space<hbm>>
    tpu.enqueue_indirect_dma source(%dma_start3A_74 : memref<10000x128xf32, #tpu.memory_space<hbm>>) target(%arg6 : memref<128x128xf32, #tpu.memory_space<vmem>>) offsets(%dma_start3A_71 : memref<128xi32, #tpu.memory_space<vmem>>) semaphore(%arg8 : memref<!tpu.dma_semaphore, #tpu.memory_space<semaphore_mem>>)
    %dma_wait3A_75 = arith.constant 3 : i32
    %dma_wait3A_76 = arith.constant 0 : i32
    %dma_wait3A_77 = tpu.memref_slice %arg5[%dma_wait3A_75, %dma_wait3A_76] : memref<10x128xi32, #tpu.memory_space<vmem>> -> memref<1x128xi32, #tpu.memory_space<vmem>>
    %dma_wait3A_78 = tpu.memref_squeeze %dma_wait3A_77 : memref<1x128xi32, #tpu.memory_space<vmem>> -> memref<128xi32, #tpu.memory_space<vmem>>
    %dma_wait3A_79 = arith.constant 0 : i32
    %dma_wait3A_80 = arith.constant 0 : i32
    %dma_wait3A_81 = tpu.memref_slice %arg2[%dma_wait3A_79, %dma_wait3A_80] : memref<10000x128xf32, #tpu.memory_space<hbm>> -> memref<10000x128xf32, #tpu.memory_space<hbm>>
    tpu.wait_indirect_dma semaphore(%arg9 : memref<!tpu.dma_semaphore, #tpu.memory_space<semaphore_mem>>) src(%dma_wait3A_81 : memref<10000x128xf32, #tpu.memory_space<hbm>>) dst(%arg7 : memref<128x128xf32, #tpu.memory_space<vmem>>)
    %mul3A_82 = arith.constant 10 : i32
    %mul3A_83 = arith.muli %add3A, %mul3A_82 : i32
    %add3A_84 = arith.constant 2 : i32
    %add3A_85 = arith.addi %mul3A_83, %add3A_84 : i32
    %add3A_86 = arith.constant 1 : i32
    %add3A_87 = arith.addi %add3A_85, %add3A_86 : i32
    %mul3A_88 = arith.constant 128 : i32
    %mul3A_89 = arith.muli %add3A_87, %mul3A_88 : i32
    "tpu.region"() ({
      %run_scoped3A = tpu.sem_alloc : memref<!tpu.dma_semaphore, #tpu.memory_space<semaphore_mem>>
      %dma_start3A_209 = arith.constant 0 : i32
      %dma_start3A_210 = tpu.memref_slice %arg4[%mul3A_89, %dma_start3A_209] : memref<40960x128xf32, #tpu.memory_space<hbm>> -> memref<128x128xf32, #tpu.memory_space<hbm>>
      %dma_start3A_211 = arith.constant 0 : i32
      %dma_start3A_212 = tpu.memref_slice %arg4[%mul3A_89, %dma_start3A_211] : memref<40960x128xf32, #tpu.memory_space<hbm>> -> memref<128x128xf32, #tpu.memory_space<hbm>>
      tpu.enqueue_dma source(%arg7 : memref<128x128xf32, #tpu.memory_space<vmem>>) target(%dma_start3A_212 : memref<128x128xf32, #tpu.memory_space<hbm>>) target_semaphore(%run_scoped3A : memref<!tpu.dma_semaphore, #tpu.memory_space<semaphore_mem>>)
      %dma_wait3A_213 = arith.constant 0 : i32
      %dma_wait3A_214 = tpu.memref_slice %arg4[%mul3A_89, %dma_wait3A_213] : memref<40960x128xf32, #tpu.memory_space<hbm>> -> memref<128x128xf32, #tpu.memory_space<hbm>>
      %dma_wait3A_215 = arith.constant 0 : i32
      %dma_wait3A_216 = tpu.memref_slice %arg4[%mul3A_89, %dma_wait3A_215] : memref<40960x128xf32, #tpu.memory_space<hbm>> -> memref<128x128xf32, #tpu.memory_space<hbm>>
      tpu.wait_dma2 semaphore(%run_scoped3A : memref<!tpu.dma_semaphore, #tpu.memory_space<semaphore_mem>>) src(%arg7 : memref<128x128xf32, #tpu.memory_space<vmem>>) dst(%dma_wait3A_216 : memref<128x128xf32, #tpu.memory_space<hbm>>)
      tpu.yield
    }) : () -> ()
    %dma_wait3A_90 = arith.constant 4 : i32
    %dma_wait3A_91 = arith.constant 0 : i32
    %dma_wait3A_92 = tpu.memref_slice %arg5[%dma_wait3A_90, %dma_wait3A_91] : memref<10x128xi32, #tpu.memory_space<vmem>> -> memref<1x128xi32, #tpu.memory_space<vmem>>
    %dma_wait3A_93 = tpu.memref_squeeze %dma_wait3A_92 : memref<1x128xi32, #tpu.memory_space<vmem>> -> memref<128xi32, #tpu.memory_space<vmem>>
    %dma_wait3A_94 = arith.constant 0 : i32
    %dma_wait3A_95 = arith.constant 0 : i32
    %dma_wait3A_96 = tpu.memref_slice %arg2[%dma_wait3A_94, %dma_wait3A_95] : memref<10000x128xf32, #tpu.memory_space<hbm>> -> memref<10000x128xf32, #tpu.memory_space<hbm>>
    tpu.wait_indirect_dma semaphore(%arg8 : memref<!tpu.dma_semaphore, #tpu.memory_space<semaphore_mem>>) src(%dma_wait3A_96 : memref<10000x128xf32, #tpu.memory_space<hbm>>) dst(%arg6 : memref<128x128xf32, #tpu.memory_space<vmem>>)
    %dma_start3A_97 = arith.constant 5 : i32
    %dma_start3A_98 = arith.constant 0 : i32
    %dma_start3A_99 = tpu.memref_slice %arg5[%dma_start3A_97, %dma_start3A_98] : memref<10x128xi32, #tpu.memory_space<vmem>> -> memref<1x128xi32, #tpu.memory_space<vmem>>
    %dma_start3A_100 = tpu.memref_squeeze %dma_start3A_99 : memref<1x128xi32, #tpu.memory_space<vmem>> -> memref<128xi32, #tpu.memory_space<vmem>>
    %dma_start3A_101 = arith.constant 0 : i32
    %dma_start3A_102 = arith.constant 0 : i32
    %dma_start3A_103 = tpu.memref_slice %arg2[%dma_start3A_101, %dma_start3A_102] : memref<10000x128xf32, #tpu.memory_space<hbm>> -> memref<10000x128xf32, #tpu.memory_space<hbm>>
    tpu.enqueue_indirect_dma source(%dma_start3A_103 : memref<10000x128xf32, #tpu.memory_space<hbm>>) target(%arg7 : memref<128x128xf32, #tpu.memory_space<vmem>>) offsets(%dma_start3A_100 : memref<128xi32, #tpu.memory_space<vmem>>) semaphore(%arg9 : memref<!tpu.dma_semaphore, #tpu.memory_space<semaphore_mem>>)
    %mul3A_104 = arith.constant 10 : i32
    %mul3A_105 = arith.muli %add3A, %mul3A_104 : i32
    %add3A_106 = arith.constant 4 : i32
    %add3A_107 = arith.addi %mul3A_105, %add3A_106 : i32
    %mul3A_108 = arith.constant 128 : i32
    %mul3A_109 = arith.muli %add3A_107, %mul3A_108 : i32
    "tpu.region"() ({
      %run_scoped3A = tpu.sem_alloc : memref<!tpu.dma_semaphore, #tpu.memory_space<semaphore_mem>>
      %dma_start3A_209 = arith.constant 0 : i32
      %dma_start3A_210 = tpu.memref_slice %arg4[%mul3A_109, %dma_start3A_209] : memref<40960x128xf32, #tpu.memory_space<hbm>> -> memref<128x128xf32, #tpu.memory_space<hbm>>
      %dma_start3A_211 = arith.constant 0 : i32
      %dma_start3A_212 = tpu.memref_slice %arg4[%mul3A_109, %dma_start3A_211] : memref<40960x128xf32, #tpu.memory_space<hbm>> -> memref<128x128xf32, #tpu.memory_space<hbm>>
      tpu.enqueue_dma source(%arg6 : memref<128x128xf32, #tpu.memory_space<vmem>>) target(%dma_start3A_212 : memref<128x128xf32, #tpu.memory_space<hbm>>) target_semaphore(%run_scoped3A : memref<!tpu.dma_semaphore, #tpu.memory_space<semaphore_mem>>)
      %dma_wait3A_213 = arith.constant 0 : i32
      %dma_wait3A_214 = tpu.memref_slice %arg4[%mul3A_109, %dma_wait3A_213] : memref<40960x128xf32, #tpu.memory_space<hbm>> -> memref<128x128xf32, #tpu.memory_space<hbm>>
      %dma_wait3A_215 = arith.constant 0 : i32
      %dma_wait3A_216 = tpu.memref_slice %arg4[%mul3A_109, %dma_wait3A_215] : memref<40960x128xf32, #tpu.memory_space<hbm>> -> memref<128x128xf32, #tpu.memory_space<hbm>>
      tpu.wait_dma2 semaphore(%run_scoped3A : memref<!tpu.dma_semaphore, #tpu.memory_space<semaphore_mem>>) src(%arg6 : memref<128x128xf32, #tpu.memory_space<vmem>>) dst(%dma_wait3A_216 : memref<128x128xf32, #tpu.memory_space<hbm>>)
      tpu.yield
    }) : () -> ()
    %dma_start3A_110 = arith.constant 6 : i32
    %dma_start3A_111 = arith.constant 0 : i32
    %dma_start3A_112 = tpu.memref_slice %arg5[%dma_start3A_110, %dma_start3A_111] : memref<10x128xi32, #tpu.memory_space<vmem>> -> memref<1x128xi32, #tpu.memory_space<vmem>>
    %dma_start3A_113 = tpu.memref_squeeze %dma_start3A_112 : memref<1x128xi32, #tpu.memory_space<vmem>> -> memref<128xi32, #tpu.memory_space<vmem>>
    %dma_start3A_114 = arith.constant 0 : i32
    %dma_start3A_115 = arith.constant 0 : i32
    %dma_start3A_116 = tpu.memref_slice %arg2[%dma_start3A_114, %dma_start3A_115] : memref<10000x128xf32, #tpu.memory_space<hbm>> -> memref<10000x128xf32, #tpu.memory_space<hbm>>
    tpu.enqueue_indirect_dma source(%dma_start3A_116 : memref<10000x128xf32, #tpu.memory_space<hbm>>) target(%arg6 : memref<128x128xf32, #tpu.memory_space<vmem>>) offsets(%dma_start3A_113 : memref<128xi32, #tpu.memory_space<vmem>>) semaphore(%arg8 : memref<!tpu.dma_semaphore, #tpu.memory_space<semaphore_mem>>)
    %dma_wait3A_117 = arith.constant 5 : i32
    %dma_wait3A_118 = arith.constant 0 : i32
    %dma_wait3A_119 = tpu.memref_slice %arg5[%dma_wait3A_117, %dma_wait3A_118] : memref<10x128xi32, #tpu.memory_space<vmem>> -> memref<1x128xi32, #tpu.memory_space<vmem>>
    %dma_wait3A_120 = tpu.memref_squeeze %dma_wait3A_119 : memref<1x128xi32, #tpu.memory_space<vmem>> -> memref<128xi32, #tpu.memory_space<vmem>>
    %dma_wait3A_121 = arith.constant 0 : i32
    %dma_wait3A_122 = arith.constant 0 : i32
    %dma_wait3A_123 = tpu.memref_slice %arg2[%dma_wait3A_121, %dma_wait3A_122] : memref<10000x128xf32, #tpu.memory_space<hbm>> -> memref<10000x128xf32, #tpu.memory_space<hbm>>
    tpu.wait_indirect_dma semaphore(%arg9 : memref<!tpu.dma_semaphore, #tpu.memory_space<semaphore_mem>>) src(%dma_wait3A_123 : memref<10000x128xf32, #tpu.memory_space<hbm>>) dst(%arg7 : memref<128x128xf32, #tpu.memory_space<vmem>>)
    %mul3A_124 = arith.constant 10 : i32
    %mul3A_125 = arith.muli %add3A, %mul3A_124 : i32
    %add3A_126 = arith.constant 4 : i32
    %add3A_127 = arith.addi %mul3A_125, %add3A_126 : i32
    %add3A_128 = arith.constant 1 : i32
    %add3A_129 = arith.addi %add3A_127, %add3A_128 : i32
    %mul3A_130 = arith.constant 128 : i32
    %mul3A_131 = arith.muli %add3A_129, %mul3A_130 : i32
    "tpu.region"() ({
      %run_scoped3A = tpu.sem_alloc : memref<!tpu.dma_semaphore, #tpu.memory_space<semaphore_mem>>
      %dma_start3A_209 = arith.constant 0 : i32
      %dma_start3A_210 = tpu.memref_slice %arg4[%mul3A_131, %dma_start3A_209] : memref<40960x128xf32, #tpu.memory_space<hbm>> -> memref<128x128xf32, #tpu.memory_space<hbm>>
      %dma_start3A_211 = arith.constant 0 : i32
      %dma_start3A_212 = tpu.memref_slice %arg4[%mul3A_131, %dma_start3A_211] : memref<40960x128xf32, #tpu.memory_space<hbm>> -> memref<128x128xf32, #tpu.memory_space<hbm>>
      tpu.enqueue_dma source(%arg7 : memref<128x128xf32, #tpu.memory_space<vmem>>) target(%dma_start3A_212 : memref<128x128xf32, #tpu.memory_space<hbm>>) target_semaphore(%run_scoped3A : memref<!tpu.dma_semaphore, #tpu.memory_space<semaphore_mem>>)
      %dma_wait3A_213 = arith.constant 0 : i32
      %dma_wait3A_214 = tpu.memref_slice %arg4[%mul3A_131, %dma_wait3A_213] : memref<40960x128xf32, #tpu.memory_space<hbm>> -> memref<128x128xf32, #tpu.memory_space<hbm>>
      %dma_wait3A_215 = arith.constant 0 : i32
      %dma_wait3A_216 = tpu.memref_slice %arg4[%mul3A_131, %dma_wait3A_215] : memref<40960x128xf32, #tpu.memory_space<hbm>> -> memref<128x128xf32, #tpu.memory_space<hbm>>
      tpu.wait_dma2 semaphore(%run_scoped3A : memref<!tpu.dma_semaphore, #tpu.memory_space<semaphore_mem>>) src(%arg7 : memref<128x128xf32, #tpu.memory_space<vmem>>) dst(%dma_wait3A_216 : memref<128x128xf32, #tpu.memory_space<hbm>>)
      tpu.yield
    }) : () -> ()
    %dma_wait3A_132 = arith.constant 6 : i32
    %dma_wait3A_133 = arith.constant 0 : i32
    %dma_wait3A_134 = tpu.memref_slice %arg5[%dma_wait3A_132, %dma_wait3A_133] : memref<10x128xi32, #tpu.memory_space<vmem>> -> memref<1x128xi32, #tpu.memory_space<vmem>>
    %dma_wait3A_135 = tpu.memref_squeeze %dma_wait3A_134 : memref<1x128xi32, #tpu.memory_space<vmem>> -> memref<128xi32, #tpu.memory_space<vmem>>
    %dma_wait3A_136 = arith.constant 0 : i32
    %dma_wait3A_137 = arith.constant 0 : i32
    %dma_wait3A_138 = tpu.memref_slice %arg2[%dma_wait3A_136, %dma_wait3A_137] : memref<10000x128xf32, #tpu.memory_space<hbm>> -> memref<10000x128xf32, #tpu.memory_space<hbm>>
    tpu.wait_indirect_dma semaphore(%arg8 : memref<!tpu.dma_semaphore, #tpu.memory_space<semaphore_mem>>) src(%dma_wait3A_138 : memref<10000x128xf32, #tpu.memory_space<hbm>>) dst(%arg6 : memref<128x128xf32, #tpu.memory_space<vmem>>)
    %dma_start3A_139 = arith.constant 7 : i32
    %dma_start3A_140 = arith.constant 0 : i32
    %dma_start3A_141 = tpu.memref_slice %arg5[%dma_start3A_139, %dma_start3A_140] : memref<10x128xi32, #tpu.memory_space<vmem>> -> memref<1x128xi32, #tpu.memory_space<vmem>>
    %dma_start3A_142 = tpu.memref_squeeze %dma_start3A_141 : memref<1x128xi32, #tpu.memory_space<vmem>> -> memref<128xi32, #tpu.memory_space<vmem>>
    %dma_start3A_143 = arith.constant 0 : i32
    %dma_start3A_144 = arith.constant 0 : i32
    %dma_start3A_145 = tpu.memref_slice %arg2[%dma_start3A_143, %dma_start3A_144] : memref<10000x128xf32, #tpu.memory_space<hbm>> -> memref<10000x128xf32, #tpu.memory_space<hbm>>
    tpu.enqueue_indirect_dma source(%dma_start3A_145 : memref<10000x128xf32, #tpu.memory_space<hbm>>) target(%arg7 : memref<128x128xf32, #tpu.memory_space<vmem>>) offsets(%dma_start3A_142 : memref<128xi32, #tpu.memory_space<vmem>>) semaphore(%arg9 : memref<!tpu.dma_semaphore, #tpu.memory_space<semaphore_mem>>)
    %mul3A_146 = arith.constant 10 : i32
    %mul3A_147 = arith.muli %add3A, %mul3A_146 : i32
    %add3A_148 = arith.constant 6 : i32
    %add3A_149 = arith.addi %mul3A_147, %add3A_148 : i32
    %mul3A_150 = arith.constant 128 : i32
    %mul3A_151 = arith.muli %add3A_149, %mul3A_150 : i32
    "tpu.region"() ({
      %run_scoped3A = tpu.sem_alloc : memref<!tpu.dma_semaphore, #tpu.memory_space<semaphore_mem>>
      %dma_start3A_209 = arith.constant 0 : i32
      %dma_start3A_210 = tpu.memref_slice %arg4[%mul3A_151, %dma_start3A_209] : memref<40960x128xf32, #tpu.memory_space<hbm>> -> memref<128x128xf32, #tpu.memory_space<hbm>>
      %dma_start3A_211 = arith.constant 0 : i32
      %dma_start3A_212 = tpu.memref_slice %arg4[%mul3A_151, %dma_start3A_211] : memref<40960x128xf32, #tpu.memory_space<hbm>> -> memref<128x128xf32, #tpu.memory_space<hbm>>
      tpu.enqueue_dma source(%arg6 : memref<128x128xf32, #tpu.memory_space<vmem>>) target(%dma_start3A_212 : memref<128x128xf32, #tpu.memory_space<hbm>>) target_semaphore(%run_scoped3A : memref<!tpu.dma_semaphore, #tpu.memory_space<semaphore_mem>>)
      %dma_wait3A_213 = arith.constant 0 : i32
      %dma_wait3A_214 = tpu.memref_slice %arg4[%mul3A_151, %dma_wait3A_213] : memref<40960x128xf32, #tpu.memory_space<hbm>> -> memref<128x128xf32, #tpu.memory_space<hbm>>
      %dma_wait3A_215 = arith.constant 0 : i32
      %dma_wait3A_216 = tpu.memref_slice %arg4[%mul3A_151, %dma_wait3A_215] : memref<40960x128xf32, #tpu.memory_space<hbm>> -> memref<128x128xf32, #tpu.memory_space<hbm>>
      tpu.wait_dma2 semaphore(%run_scoped3A : memref<!tpu.dma_semaphore, #tpu.memory_space<semaphore_mem>>) src(%arg6 : memref<128x128xf32, #tpu.memory_space<vmem>>) dst(%dma_wait3A_216 : memref<128x128xf32, #tpu.memory_space<hbm>>)
      tpu.yield
    }) : () -> ()
    %dma_start3A_152 = arith.constant 8 : i32
    %dma_start3A_153 = arith.constant 0 : i32
    %dma_start3A_154 = tpu.memref_slice %arg5[%dma_start3A_152, %dma_start3A_153] : memref<10x128xi32, #tpu.memory_space<vmem>> -> memref<1x128xi32, #tpu.memory_space<vmem>>
    %dma_start3A_155 = tpu.memref_squeeze %dma_start3A_154 : memref<1x128xi32, #tpu.memory_space<vmem>> -> memref<128xi32, #tpu.memory_space<vmem>>
    %dma_start3A_156 = arith.constant 0 : i32
    %dma_start3A_157 = arith.constant 0 : i32
    %dma_start3A_158 = tpu.memref_slice %arg2[%dma_start3A_156, %dma_start3A_157] : memref<10000x128xf32, #tpu.memory_space<hbm>> -> memref<10000x128xf32, #tpu.memory_space<hbm>>
    tpu.enqueue_indirect_dma source(%dma_start3A_158 : memref<10000x128xf32, #tpu.memory_space<hbm>>) target(%arg6 : memref<128x128xf32, #tpu.memory_space<vmem>>) offsets(%dma_start3A_155 : memref<128xi32, #tpu.memory_space<vmem>>) semaphore(%arg8 : memref<!tpu.dma_semaphore, #tpu.memory_space<semaphore_mem>>)
    %dma_wait3A_159 = arith.constant 7 : i32
    %dma_wait3A_160 = arith.constant 0 : i32
    %dma_wait3A_161 = tpu.memref_slice %arg5[%dma_wait3A_159, %dma_wait3A_160] : memref<10x128xi32, #tpu.memory_space<vmem>> -> memref<1x128xi32, #tpu.memory_space<vmem>>
    %dma_wait3A_162 = tpu.memref_squeeze %dma_wait3A_161 : memref<1x128xi32, #tpu.memory_space<vmem>> -> memref<128xi32, #tpu.memory_space<vmem>>
    %dma_wait3A_163 = arith.constant 0 : i32
    %dma_wait3A_164 = arith.constant 0 : i32
    %dma_wait3A_165 = tpu.memref_slice %arg2[%dma_wait3A_163, %dma_wait3A_164] : memref<10000x128xf32, #tpu.memory_space<hbm>> -> memref<10000x128xf32, #tpu.memory_space<hbm>>
    tpu.wait_indirect_dma semaphore(%arg9 : memref<!tpu.dma_semaphore, #tpu.memory_space<semaphore_mem>>) src(%dma_wait3A_165 : memref<10000x128xf32, #tpu.memory_space<hbm>>) dst(%arg7 : memref<128x128xf32, #tpu.memory_space<vmem>>)
    %mul3A_166 = arith.constant 10 : i32
    %mul3A_167 = arith.muli %add3A, %mul3A_166 : i32
    %add3A_168 = arith.constant 6 : i32
    %add3A_169 = arith.addi %mul3A_167, %add3A_168 : i32
    %add3A_170 = arith.constant 1 : i32
    %add3A_171 = arith.addi %add3A_169, %add3A_170 : i32
    %mul3A_172 = arith.constant 128 : i32
    %mul3A_173 = arith.muli %add3A_171, %mul3A_172 : i32
    "tpu.region"() ({
      %run_scoped3A = tpu.sem_alloc : memref<!tpu.dma_semaphore, #tpu.memory_space<semaphore_mem>>
      %dma_start3A_209 = arith.constant 0 : i32
      %dma_start3A_210 = tpu.memref_slice %arg4[%mul3A_173, %dma_start3A_209] : memref<40960x128xf32, #tpu.memory_space<hbm>> -> memref<128x128xf32, #tpu.memory_space<hbm>>
      %dma_start3A_211 = arith.constant 0 : i32
      %dma_start3A_212 = tpu.memref_slice %arg4[%mul3A_173, %dma_start3A_211] : memref<40960x128xf32, #tpu.memory_space<hbm>> -> memref<128x128xf32, #tpu.memory_space<hbm>>
      tpu.enqueue_dma source(%arg7 : memref<128x128xf32, #tpu.memory_space<vmem>>) target(%dma_start3A_212 : memref<128x128xf32, #tpu.memory_space<hbm>>) target_semaphore(%run_scoped3A : memref<!tpu.dma_semaphore, #tpu.memory_space<semaphore_mem>>)
      %dma_wait3A_213 = arith.constant 0 : i32
      %dma_wait3A_214 = tpu.memref_slice %arg4[%mul3A_173, %dma_wait3A_213] : memref<40960x128xf32, #tpu.memory_space<hbm>> -> memref<128x128xf32, #tpu.memory_space<hbm>>
      %dma_wait3A_215 = arith.constant 0 : i32
      %dma_wait3A_216 = tpu.memref_slice %arg4[%mul3A_173, %dma_wait3A_215] : memref<40960x128xf32, #tpu.memory_space<hbm>> -> memref<128x128xf32, #tpu.memory_space<hbm>>
      tpu.wait_dma2 semaphore(%run_scoped3A : memref<!tpu.dma_semaphore, #tpu.memory_space<semaphore_mem>>) src(%arg7 : memref<128x128xf32, #tpu.memory_space<vmem>>) dst(%dma_wait3A_216 : memref<128x128xf32, #tpu.memory_space<hbm>>)
      tpu.yield
    }) : () -> ()
    %dma_wait3A_174 = arith.constant 8 : i32
    %dma_wait3A_175 = arith.constant 0 : i32
    %dma_wait3A_176 = tpu.memref_slice %arg5[%dma_wait3A_174, %dma_wait3A_175] : memref<10x128xi32, #tpu.memory_space<vmem>> -> memref<1x128xi32, #tpu.memory_space<vmem>>
    %dma_wait3A_177 = tpu.memref_squeeze %dma_wait3A_176 : memref<1x128xi32, #tpu.memory_space<vmem>> -> memref<128xi32, #tpu.memory_space<vmem>>
    %dma_wait3A_178 = arith.constant 0 : i32
    %dma_wait3A_179 = arith.constant 0 : i32
    %dma_wait3A_180 = tpu.memref_slice %arg2[%dma_wait3A_178, %dma_wait3A_179] : memref<10000x128xf32, #tpu.memory_space<hbm>> -> memref<10000x128xf32, #tpu.memory_space<hbm>>
    tpu.wait_indirect_dma semaphore(%arg8 : memref<!tpu.dma_semaphore, #tpu.memory_space<semaphore_mem>>) src(%dma_wait3A_180 : memref<10000x128xf32, #tpu.memory_space<hbm>>) dst(%arg6 : memref<128x128xf32, #tpu.memory_space<vmem>>)
    %dma_start3A_181 = arith.constant 9 : i32
    %dma_start3A_182 = arith.constant 0 : i32
    %dma_start3A_183 = tpu.memref_slice %arg5[%dma_start3A_181, %dma_start3A_182] : memref<10x128xi32, #tpu.memory_space<vmem>> -> memref<1x128xi32, #tpu.memory_space<vmem>>
    %dma_start3A_184 = tpu.memref_squeeze %dma_start3A_183 : memref<1x128xi32, #tpu.memory_space<vmem>> -> memref<128xi32, #tpu.memory_space<vmem>>
    %dma_start3A_185 = arith.constant 0 : i32
    %dma_start3A_186 = arith.constant 0 : i32
    %dma_start3A_187 = tpu.memref_slice %arg2[%dma_start3A_185, %dma_start3A_186] : memref<10000x128xf32, #tpu.memory_space<hbm>> -> memref<10000x128xf32, #tpu.memory_space<hbm>>
    tpu.enqueue_indirect_dma source(%dma_start3A_187 : memref<10000x128xf32, #tpu.memory_space<hbm>>) target(%arg7 : memref<128x128xf32, #tpu.memory_space<vmem>>) offsets(%dma_start3A_184 : memref<128xi32, #tpu.memory_space<vmem>>) semaphore(%arg9 : memref<!tpu.dma_semaphore, #tpu.memory_space<semaphore_mem>>)
    %mul3A_188 = arith.constant 10 : i32
    %mul3A_189 = arith.muli %add3A, %mul3A_188 : i32
    %add3A_190 = arith.constant 8 : i32
    %add3A_191 = arith.addi %mul3A_189, %add3A_190 : i32
    %mul3A_192 = arith.constant 128 : i32
    %mul3A_193 = arith.muli %add3A_191, %mul3A_192 : i32
    "tpu.region"() ({
      %run_scoped3A = tpu.sem_alloc : memref<!tpu.dma_semaphore, #tpu.memory_space<semaphore_mem>>
      %dma_start3A_209 = arith.constant 0 : i32
      %dma_start3A_210 = tpu.memref_slice %arg4[%mul3A_193, %dma_start3A_209] : memref<40960x128xf32, #tpu.memory_space<hbm>> -> memref<128x128xf32, #tpu.memory_space<hbm>>
      %dma_start3A_211 = arith.constant 0 : i32
      %dma_start3A_212 = tpu.memref_slice %arg4[%mul3A_193, %dma_start3A_211] : memref<40960x128xf32, #tpu.memory_space<hbm>> -> memref<128x128xf32, #tpu.memory_space<hbm>>
      tpu.enqueue_dma source(%arg6 : memref<128x128xf32, #tpu.memory_space<vmem>>) target(%dma_start3A_212 : memref<128x128xf32, #tpu.memory_space<hbm>>) target_semaphore(%run_scoped3A : memref<!tpu.dma_semaphore, #tpu.memory_space<semaphore_mem>>)
      %dma_wait3A_213 = arith.constant 0 : i32
      %dma_wait3A_214 = tpu.memref_slice %arg4[%mul3A_193, %dma_wait3A_213] : memref<40960x128xf32, #tpu.memory_space<hbm>> -> memref<128x128xf32, #tpu.memory_space<hbm>>
      %dma_wait3A_215 = arith.constant 0 : i32
      %dma_wait3A_216 = tpu.memref_slice %arg4[%mul3A_193, %dma_wait3A_215] : memref<40960x128xf32, #tpu.memory_space<hbm>> -> memref<128x128xf32, #tpu.memory_space<hbm>>
      tpu.wait_dma2 semaphore(%run_scoped3A : memref<!tpu.dma_semaphore, #tpu.memory_space<semaphore_mem>>) src(%arg6 : memref<128x128xf32, #tpu.memory_space<vmem>>) dst(%dma_wait3A_216 : memref<128x128xf32, #tpu.memory_space<hbm>>)
      tpu.yield
    }) : () -> ()
    %dma_wait3A_194 = arith.constant 9 : i32
    %dma_wait3A_195 = arith.constant 0 : i32
    %dma_wait3A_196 = tpu.memref_slice %arg5[%dma_wait3A_194, %dma_wait3A_195] : memref<10x128xi32, #tpu.memory_space<vmem>> -> memref<1x128xi32, #tpu.memory_space<vmem>>
    %dma_wait3A_197 = tpu.memref_squeeze %dma_wait3A_196 : memref<1x128xi32, #tpu.memory_space<vmem>> -> memref<128xi32, #tpu.memory_space<vmem>>
    %dma_wait3A_198 = arith.constant 0 : i32
    %dma_wait3A_199 = arith.constant 0 : i32
    %dma_wait3A_200 = tpu.memref_slice %arg2[%dma_wait3A_198, %dma_wait3A_199] : memref<10000x128xf32, #tpu.memory_space<hbm>> -> memref<10000x128xf32, #tpu.memory_space<hbm>>
    tpu.wait_indirect_dma semaphore(%arg9 : memref<!tpu.dma_semaphore, #tpu.memory_space<semaphore_mem>>) src(%dma_wait3A_200 : memref<10000x128xf32, #tpu.memory_space<hbm>>) dst(%arg7 : memref<128x128xf32, #tpu.memory_space<vmem>>)
    %mul3A_201 = arith.constant 10 : i32
    %mul3A_202 = arith.muli %add3A, %mul3A_201 : i32
    %add3A_203 = arith.constant 8 : i32
    %add3A_204 = arith.addi %mul3A_202, %add3A_203 : i32
    %add3A_205 = arith.constant 1 : i32
    %add3A_206 = arith.addi %add3A_204, %add3A_205 : i32
    %mul3A_207 = arith.constant 128 : i32
    %mul3A_208 = arith.muli %add3A_206, %mul3A_207 : i32
    "tpu.region"() ({
      %run_scoped3A = tpu.sem_alloc : memref<!tpu.dma_semaphore, #tpu.memory_space<semaphore_mem>>
      %dma_start3A_209 = arith.constant 0 : i32
      %dma_start3A_210 = tpu.memref_slice %arg4[%mul3A_208, %dma_start3A_209] : memref<40960x128xf32, #tpu.memory_space<hbm>> -> memref<128x128xf32, #tpu.memory_space<hbm>>
      %dma_start3A_211 = arith.constant 0 : i32
      %dma_start3A_212 = tpu.memref_slice %arg4[%mul3A_208, %dma_start3A_211] : memref<40960x128xf32, #tpu.memory_space<hbm>> -> memref<128x128xf32, #tpu.memory_space<hbm>>
      tpu.enqueue_dma source(%arg7 : memref<128x128xf32, #tpu.memory_space<vmem>>) target(%dma_start3A_212 : memref<128x128xf32, #tpu.memory_space<hbm>>) target_semaphore(%run_scoped3A : memref<!tpu.dma_semaphore, #tpu.memory_space<semaphore_mem>>)
      %dma_wait3A_213 = arith.constant 0 : i32
      %dma_wait3A_214 = tpu.memref_slice %arg4[%mul3A_208, %dma_wait3A_213] : memref<40960x128xf32, #tpu.memory_space<hbm>> -> memref<128x128xf32, #tpu.memory_space<hbm>>
      %dma_wait3A_215 = arith.constant 0 : i32
      %dma_wait3A_216 = tpu.memref_slice %arg4[%mul3A_208, %dma_wait3A_215] : memref<40960x128xf32, #tpu.memory_space<hbm>> -> memref<128x128xf32, #tpu.memory_space<hbm>>
      tpu.wait_dma2 semaphore(%run_scoped3A : memref<!tpu.dma_semaphore, #tpu.memory_space<semaphore_mem>>) src(%arg7 : memref<128x128xf32, #tpu.memory_space<vmem>>) dst(%dma_wait3A_216 : memref<128x128xf32, #tpu.memory_space<hbm>>)
      tpu.yield
    }) : () -> ()
    return
  }
}

module attributes {stable_mosaic.version = 14 : i64} {
  func.func @_msg_body(%arg0: i32, %arg1: memref<1000x128xf32, #tpu.memory_space<vmem>>, %arg2: memref<128x128xf32, #tpu.memory_space<vmem>>, %arg3: memref<1x128xf32, #tpu.memory_space<vmem>>, %arg4: memref<1000x128xf32, #tpu.memory_space<vmem>>) attributes {dimension_semantics = [#tpu.dimension_semantics<arbitrary>], iteration_bounds = array<i64: 10>, scalar_prefetch = 0 : i64, scratch_operands = 0 : i64, tpu.core_type = #tpu.core_type<tc>, window_params = [{transform_indices = @transform_0, window_bounds = array<i64: 1000, 128>}, {pipeline_mode = #tpu.pipeline_mode<synchronous>, transform_indices = @transform_1, window_bounds = array<i64: 128, 128>}, {pipeline_mode = #tpu.pipeline_mode<synchronous>, transform_indices = @transform_2, window_bounds = array<i64: 1, 128>}, {transform_indices = @transform_3, window_bounds = array<i64: 1000, 128>}]} {
    %get3A = arith.constant 0 : index
    %get3A_0 = arith.constant 0 : index
    %get3A_1 = vector.load %arg1[%get3A, %get3A_0] : memref<1000x128xf32, #tpu.memory_space<vmem>>, vector<1000x128xf32>
    %get3A_2 = arith.constant 0 : index
    %get3A_3 = arith.constant 0 : index
    %get3A_4 = vector.load %arg2[%get3A_2, %get3A_3] : memref<128x128xf32, #tpu.memory_space<vmem>>, vector<128x128xf32>
    %dot_general3A = arith.constant dense<0.000000e+00> : vector<1000x128xf32>
    %dot_general3A_5 = tpu.matmul %get3A_1, %get3A_4, %dot_general3A {dimension_numbers = #tpu.dot_dimension_numbers<[1], [0], [0], [1], [0, 0, 1, 1], [], []>, transpose_lhs_hint = false} : vector<1000x128xf32>, vector<128x128xf32>, vector<1000x128xf32> -> vector<1000x128xf32>
    %get3A_6 = arith.constant 0 : index
    %get3A_7 = arith.constant 0 : index
    %get3A_8 = vector.load %arg3[%get3A_6, %get3A_7] : memref<1x128xf32, #tpu.memory_space<vmem>>, vector<1x128xf32>
    %add3A = vector.broadcast %get3A_8 : vector<1x128xf32> to vector<1000x128xf32>
    %add3A_9 = arith.addf %dot_general3A_5, %add3A : vector<1000x128xf32>
    %swap3A = arith.constant 0 : index
    %swap3A_10 = arith.constant 0 : index
    %swap3A_11 = vector.load %arg4[%swap3A, %swap3A_10] : memref<1000x128xf32, #tpu.memory_space<vmem>>, vector<1000x128xf32>
    tpu.vector_store %arg4[%swap3A, %swap3A_10], %add3A_9 {strides = array<i32>} : memref<1000x128xf32, #tpu.memory_space<vmem>>, vector<1000x128xf32>,
    return
  }
  func.func @transform_0(%arg0: i32) -> (i32, i32) {
    %c0_i32 = arith.constant 0 : i32
    %c0_i32_0 = arith.constant 0 : i32
    return %arg0, %c0_i32 : i32, i32
  }
  func.func @transform_1(%arg0: i32) -> (i32, i32) {
    %c0_i32 = arith.constant 0 : i32
    %c0_i32_0 = arith.constant 0 : i32
    %c0_i32_1 = arith.constant 0 : i32
    return %c0_i32, %c0_i32_0 : i32, i32
  }
  func.func @transform_2(%arg0: i32) -> (i32, i32) {
    %c0_i32 = arith.constant 0 : i32
    %c0_i32_0 = arith.constant 0 : i32
    %c0_i32_1 = arith.constant 0 : i32
    return %c0_i32, %c0_i32_0 : i32, i32
  }
  func.func @transform_3(%arg0: i32) -> (i32, i32) {
    %c0_i32 = arith.constant 0 : i32
    %c0_i32_0 = arith.constant 0 : i32
    return %arg0, %c0_i32 : i32, i32
  }
}

module attributes {stable_mosaic.version = 14 : i64} {
  func.func @_gru_body(%arg0: i32, %arg1: memref<2x1000x128xf32, #tpu.memory_space<vmem>>, %arg2: memref<1000x128xf32, #tpu.memory_space<vmem>>, %arg3: memref<128x384xf32, #tpu.memory_space<vmem>>, %arg4: memref<128x384xf32, #tpu.memory_space<vmem>>, %arg5: memref<1x384xf32, #tpu.memory_space<vmem>>, %arg6: memref<1x384xf32, #tpu.memory_space<vmem>>, %arg7: memref<128x128xf32, #tpu.memory_space<vmem>>, %arg8: memref<1x128xf32, #tpu.memory_space<vmem>>, %arg9: memref<1000x128xf32, #tpu.memory_space<vmem>>, %arg10: memref<1000x128xf32, #tpu.memory_space<vmem>>) attributes {dimension_semantics = [#tpu.dimension_semantics<arbitrary>], iteration_bounds = array<i64: 10>, scalar_prefetch = 0 : i64, scratch_operands = 0 : i64, tpu.core_type = #tpu.core_type<tc>, window_params = [{transform_indices = @transform_0, window_bounds = array<i64: 2, 1000, 128>}, {transform_indices = @transform_1, window_bounds = array<i64: 1000, 128>}, {pipeline_mode = #tpu.pipeline_mode<synchronous>, transform_indices = @transform_2, window_bounds = array<i64: 128, 384>}, {pipeline_mode = #tpu.pipeline_mode<synchronous>, transform_indices = @transform_3, window_bounds = array<i64: 128, 384>}, {pipeline_mode = #tpu.pipeline_mode<synchronous>, transform_indices = @transform_4, window_bounds = array<i64: 1, 384>}, {pipeline_mode = #tpu.pipeline_mode<synchronous>, transform_indices = @transform_5, window_bounds = array<i64: 1, 384>}, {pipeline_mode = #tpu.pipeline_mode<synchronous>, transform_indices = @transform_6, window_bounds = array<i64: 128, 128>}, {pipeline_mode = #tpu.pipeline_mode<synchronous>, transform_indices = @transform_7, window_bounds = array<i64: 1, 128>}, {transform_indices = @transform_8, window_bounds = array<i64: 1000, 128>}, {transform_indices = @transform_9, window_bounds = array<i64: 1000, 128>}]} {
    %get3A = arith.constant 0 : index
    %get3A_0 = arith.constant 0 : index
    %get3A_1 = vector.load %arg2[%get3A, %get3A_0] : memref<1000x128xf32, #tpu.memory_space<vmem>>, vector<1000x128xf32>
    %get3A_2 = arith.constant 0 : index
    %get3A_3 = arith.constant 0 : index
    %get3A_4 = arith.constant 0 : index
    %get3A_5 = vector.load %arg1[%get3A_2, %get3A_3, %get3A_4] : memref<2x1000x128xf32, #tpu.memory_space<vmem>>, vector<1x1000x128xf32>
    %get3A_6 = vector.shape_cast %get3A_5 : vector<1x1000x128xf32> to vector<1000x128xf32>
    %get3A_7 = arith.constant 1 : index
    %get3A_8 = arith.constant 0 : index
    %get3A_9 = arith.constant 0 : index
    %get3A_10 = vector.load %arg1[%get3A_7, %get3A_8, %get3A_9] : memref<2x1000x128xf32, #tpu.memory_space<vmem>>, vector<1x1000x128xf32>
    %get3A_11 = vector.shape_cast %get3A_10 : vector<1x1000x128xf32> to vector<1000x128xf32>
    %add3A = arith.addf %get3A_6, %get3A_11 : vector<1000x128xf32>
    %get3A_12 = arith.constant 0 : index
    %get3A_13 = arith.constant 0 : index
    %get3A_14 = vector.load %arg3[%get3A_12, %get3A_13] : memref<128x384xf32, #tpu.memory_space<vmem>>, vector<128x384xf32>
    %dot_general3A = arith.constant dense<0.000000e+00> : vector<1000x384xf32>
    %dot_general3A_15 = tpu.matmul %add3A, %get3A_14, %dot_general3A {dimension_numbers = #tpu.dot_dimension_numbers<[1], [0], [0], [1], [0, 0, 1, 1], [], []>, transpose_lhs_hint = false} : vector<1000x128xf32>, vector<128x384xf32>, vector<1000x384xf32> -> vector<1000x384xf32>
    %get3A_16 = arith.constant 0 : index
    %get3A_17 = arith.constant 0 : index
    %get3A_18 = vector.load %arg5[%get3A_16, %get3A_17] : memref<1x384xf32, #tpu.memory_space<vmem>>, vector<1x384xf32>
    %add3A_19 = vector.broadcast %get3A_18 : vector<1x384xf32> to vector<1000x384xf32>
    %add3A_20 = arith.addf %dot_general3A_15, %add3A_19 : vector<1000x384xf32>
    %get3A_21 = arith.constant 0 : index
    %get3A_22 = arith.constant 0 : index
    %get3A_23 = vector.load %arg4[%get3A_21, %get3A_22] : memref<128x384xf32, #tpu.memory_space<vmem>>, vector<128x384xf32>
    %dot_general3A_24 = arith.constant dense<0.000000e+00> : vector<1000x384xf32>
    %dot_general3A_25 = tpu.matmul %get3A_1, %get3A_23, %dot_general3A_24 {dimension_numbers = #tpu.dot_dimension_numbers<[1], [0], [0], [1], [0, 0, 1, 1], [], []>, transpose_lhs_hint = false} : vector<1000x128xf32>, vector<128x384xf32>, vector<1000x384xf32> -> vector<1000x384xf32>
    %get3A_26 = arith.constant 0 : index
    %get3A_27 = arith.constant 0 : index
    %get3A_28 = vector.load %arg6[%get3A_26, %get3A_27] : memref<1x384xf32, #tpu.memory_space<vmem>>, vector<1x384xf32>
    %add3A_29 = vector.broadcast %get3A_28 : vector<1x384xf32> to vector<1000x384xf32>
    %add3A_30 = arith.addf %dot_general3A_25, %add3A_29 : vector<1000x384xf32>
    %slice3A = vector.extract_strided_slice %add3A_20 {offsets = [0, 0], sizes = [1000, 128], strides = [1, 1]} : vector<1000x384xf32> to vector<1000x128xf32>
    %slice3A_31 = vector.extract_strided_slice %add3A_30 {offsets = [0, 0], sizes = [1000, 128], strides = [1, 1]} : vector<1000x384xf32> to vector<1000x128xf32>
    %add3A_32 = arith.addf %slice3A, %slice3A_31 : vector<1000x128xf32>
    %logistic3A = arith.negf %add3A_32 : vector<1000x128xf32>
    %logistic3A_33 = math.exp %logistic3A : vector<1000x128xf32>
    %logistic3A_34 = arith.constant 1.000000e+00 : f32
    %logistic3A_35 = vector.broadcast %logistic3A_34 : f32 to vector<1000x128xf32>
    %logistic3A_36 = arith.addf %logistic3A_35, %logistic3A_33 : vector<1000x128xf32>
    %logistic3A_37 = arith.divf %logistic3A_35, %logistic3A_36 : vector<1000x128xf32>
    %slice3A_38 = vector.extract_strided_slice %add3A_20 {offsets = [0, 128], sizes = [1000, 128], strides = [1, 1]} : vector<1000x384xf32> to vector<1000x128xf32>
    %slice3A_39 = vector.extract_strided_slice %add3A_30 {offsets = [0, 128], sizes = [1000, 128], strides = [1, 1]} : vector<1000x384xf32> to vector<1000x128xf32>
    %add3A_40 = arith.addf %slice3A_38, %slice3A_39 : vector<1000x128xf32>
    %logistic3A_41 = arith.negf %add3A_40 : vector<1000x128xf32>
    %logistic3A_42 = math.exp %logistic3A_41 : vector<1000x128xf32>
    %logistic3A_43 = arith.constant 1.000000e+00 : f32
    %logistic3A_44 = vector.broadcast %logistic3A_43 : f32 to vector<1000x128xf32>
    %logistic3A_45 = arith.addf %logistic3A_44, %logistic3A_42 : vector<1000x128xf32>
    %logistic3A_46 = arith.divf %logistic3A_44, %logistic3A_45 : vector<1000x128xf32>
    %slice3A_47 = vector.extract_strided_slice %add3A_20 {offsets = [0, 256], sizes = [1000, 128], strides = [1, 1]} : vector<1000x384xf32> to vector<1000x128xf32>
    %slice3A_48 = vector.extract_strided_slice %add3A_30 {offsets = [0, 256], sizes = [1000, 128], strides = [1, 1]} : vector<1000x384xf32> to vector<1000x128xf32>
    %mul3A = arith.mulf %logistic3A_37, %slice3A_48 : vector<1000x128xf32>
    %add3A_49 = arith.addf %slice3A_47, %mul3A : vector<1000x128xf32>
    %tanh3A = math.tanh %add3A_49 : vector<1000x128xf32>
    %sub3A = arith.constant 1.000000e+00 : f32
    %sub3A_50 = vector.broadcast %sub3A : f32 to vector<1000x128xf32>
    %sub3A_51 = arith.subf %sub3A_50, %logistic3A_46 : vector<1000x128xf32>
    %mul3A_52 = arith.mulf %sub3A_51, %tanh3A : vector<1000x128xf32>
    %mul3A_53 = arith.mulf %logistic3A_46, %get3A_1 : vector<1000x128xf32>
    %add3A_54 = arith.addf %mul3A_52, %mul3A_53 : vector<1000x128xf32>
    %swap3A = arith.constant 0 : index
    %swap3A_55 = arith.constant 0 : index
    %swap3A_56 = vector.load %arg9[%swap3A, %swap3A_55] : memref<1000x128xf32, #tpu.memory_space<vmem>>, vector<1000x128xf32>
    tpu.vector_store %arg9[%swap3A, %swap3A_55], %add3A_54 {strides = array<i32>} : memref<1000x128xf32, #tpu.memory_space<vmem>>, vector<1000x128xf32>,
    %get3A_57 = arith.constant 0 : index
    %get3A_58 = arith.constant 0 : index
    %get3A_59 = vector.load %arg7[%get3A_57, %get3A_58] : memref<128x128xf32, #tpu.memory_space<vmem>>, vector<128x128xf32>
    %dot_general3A_60 = arith.constant dense<0.000000e+00> : vector<1000x128xf32>
    %dot_general3A_61 = tpu.matmul %add3A_54, %get3A_59, %dot_general3A_60 {dimension_numbers = #tpu.dot_dimension_numbers<[1], [0], [0], [1], [0, 0, 1, 1], [], []>, transpose_lhs_hint = false} : vector<1000x128xf32>, vector<128x128xf32>, vector<1000x128xf32> -> vector<1000x128xf32>
    %get3A_62 = arith.constant 0 : index
    %get3A_63 = arith.constant 0 : index
    %get3A_64 = vector.load %arg8[%get3A_62, %get3A_63] : memref<1x128xf32, #tpu.memory_space<vmem>>, vector<1x128xf32>
    %add3A_65 = vector.broadcast %get3A_64 : vector<1x128xf32> to vector<1000x128xf32>
    %add3A_66 = arith.addf %dot_general3A_61, %add3A_65 : vector<1000x128xf32>
    %swap3A_67 = arith.constant 0 : index
    %swap3A_68 = arith.constant 0 : index
    %swap3A_69 = vector.load %arg10[%swap3A_67, %swap3A_68] : memref<1000x128xf32, #tpu.memory_space<vmem>>, vector<1000x128xf32>
    tpu.vector_store %arg10[%swap3A_67, %swap3A_68], %add3A_66 {strides = array<i32>} : memref<1000x128xf32, #tpu.memory_space<vmem>>, vector<1000x128xf32>,
    return
  }
  func.func @transform_0(%arg0: i32) -> (i32, i32, i32) {
    %c0_i32 = arith.constant 0 : i32
    %c0_i32_0 = arith.constant 0 : i32
    %c0_i32_1 = arith.constant 0 : i32
    return %c0_i32, %arg0, %c0_i32_0 : i32, i32, i32
  }
  func.func @transform_1(%arg0: i32) -> (i32, i32) {
    %c0_i32 = arith.constant 0 : i32
    %c0_i32_0 = arith.constant 0 : i32
    return %arg0, %c0_i32 : i32, i32
  }
  func.func @transform_2(%arg0: i32) -> (i32, i32) {
    %c0_i32 = arith.constant 0 : i32
    %c0_i32_0 = arith.constant 0 : i32
    %c0_i32_1 = arith.constant 0 : i32
    return %c0_i32, %c0_i32_0 : i32, i32
  }
  func.func @transform_3(%arg0: i32) -> (i32, i32) {
    %c0_i32 = arith.constant 0 : i32
    %c0_i32_0 = arith.constant 0 : i32
    %c0_i32_1 = arith.constant 0 : i32
    return %c0_i32, %c0_i32_0 : i32, i32
  }
  func.func @transform_4(%arg0: i32) -> (i32, i32) {
    %c0_i32 = arith.constant 0 : i32
    %c0_i32_0 = arith.constant 0 : i32
    %c0_i32_1 = arith.constant 0 : i32
    return %c0_i32, %c0_i32_0 : i32, i32
  }
  func.func @transform_5(%arg0: i32) -> (i32, i32) {
    %c0_i32 = arith.constant 0 : i32
    %c0_i32_0 = arith.constant 0 : i32
    %c0_i32_1 = arith.constant 0 : i32
    return %c0_i32, %c0_i32_0 : i32, i32
  }
  func.func @transform_6(%arg0: i32) -> (i32, i32) {
    %c0_i32 = arith.constant 0 : i32
    %c0_i32_0 = arith.constant 0 : i32
    %c0_i32_1 = arith.constant 0 : i32
    return %c0_i32, %c0_i32_0 : i32, i32
  }
  func.func @transform_7(%arg0: i32) -> (i32, i32) {
    %c0_i32 = arith.constant 0 : i32
    %c0_i32_0 = arith.constant 0 : i32
    %c0_i32_1 = arith.constant 0 : i32
    return %c0_i32, %c0_i32_0 : i32, i32
  }
  func.func @transform_8(%arg0: i32) -> (i32, i32) {
    %c0_i32 = arith.constant 0 : i32
    %c0_i32_0 = arith.constant 0 : i32
    return %arg0, %c0_i32 : i32, i32
  }
  func.func @transform_9(%arg0: i32) -> (i32, i32) {
    %c0_i32 = arith.constant 0 : i32
    %c0_i32_0 = arith.constant 0 : i32
    return %arg0, %c0_i32 : i32, i32
  }
}

module attributes {stable_mosaic.version = 14 : i64} {
  func.func @_pred_body(%arg0: i32, %arg1: memref<1000x128xf32, #tpu.memory_space<vmem>>, %arg2: memref<1000x128xf32, #tpu.memory_space<vmem>>, %arg3: memref<1000x128xf32, #tpu.memory_space<vmem>>, %arg4: memref<1000x128xf32, #tpu.memory_space<vmem>>, %arg5: memref<128x64xf32, #tpu.memory_space<vmem>>, %arg6: memref<1x64xf32, #tpu.memory_space<vmem>>, %arg7: memref<64x1xf32, #tpu.memory_space<vmem>>, %arg8: memref<1x1xf32, #tpu.memory_space<vmem>>, %arg9: memref<1000x1xf32, #tpu.memory_space<vmem>>, %arg10: memref<1000x1xf32, #tpu.memory_space<vmem>>) attributes {dimension_semantics = [#tpu.dimension_semantics<arbitrary>], iteration_bounds = array<i64: 10>, scalar_prefetch = 0 : i64, scratch_operands = 0 : i64, tpu.core_type = #tpu.core_type<tc>, window_params = [{transform_indices = @transform_0, window_bounds = array<i64: 1000, 128>}, {transform_indices = @transform_1, window_bounds = array<i64: 1000, 128>}, {transform_indices = @transform_2, window_bounds = array<i64: 1000, 128>}, {transform_indices = @transform_3, window_bounds = array<i64: 1000, 128>}, {pipeline_mode = #tpu.pipeline_mode<synchronous>, transform_indices = @transform_4, window_bounds = array<i64: 128, 64>}, {pipeline_mode = #tpu.pipeline_mode<synchronous>, transform_indices = @transform_5, window_bounds = array<i64: 1, 64>}, {pipeline_mode = #tpu.pipeline_mode<synchronous>, transform_indices = @transform_6, window_bounds = array<i64: 64, 1>}, {pipeline_mode = #tpu.pipeline_mode<synchronous>, transform_indices = @transform_7, window_bounds = array<i64: 1, 1>}, {transform_indices = @transform_8, window_bounds = array<i64: 1000, 1>}, {transform_indices = @transform_9, window_bounds = array<i64: 1000, 1>}]} {
    %get3A = arith.constant 0 : index
    %get3A_0 = arith.constant 0 : index
    %get3A_1 = vector.load %arg1[%get3A, %get3A_0] : memref<1000x128xf32, #tpu.memory_space<vmem>>, vector<1000x128xf32>
    %get3A_2 = arith.constant 0 : index
    %get3A_3 = arith.constant 0 : index
    %get3A_4 = vector.load %arg2[%get3A_2, %get3A_3] : memref<1000x128xf32, #tpu.memory_space<vmem>>, vector<1000x128xf32>
    %mul3A = arith.mulf %get3A_1, %get3A_4 : vector<1000x128xf32>
    %get3A_5 = arith.constant 0 : index
    %get3A_6 = arith.constant 0 : index
    %get3A_7 = vector.load %arg5[%get3A_5, %get3A_6] : memref<128x64xf32, #tpu.memory_space<vmem>>, vector<128x64xf32>
    %dot_general3A = arith.constant dense<0.000000e+00> : vector<1000x64xf32>
    %dot_general3A_8 = tpu.matmul %mul3A, %get3A_7, %dot_general3A {dimension_numbers = #tpu.dot_dimension_numbers<[1], [0], [0], [1], [0, 0, 1, 1], [], []>, transpose_lhs_hint = false} : vector<1000x128xf32>, vector<128x64xf32>, vector<1000x64xf32> -> vector<1000x64xf32>
    %get3A_9 = arith.constant 0 : index
    %get3A_10 = arith.constant 0 : index
    %get3A_11 = vector.load %arg6[%get3A_9, %get3A_10] : memref<1x64xf32, #tpu.memory_space<vmem>>, vector<1x64xf32>
    %add3A = vector.broadcast %get3A_11 : vector<1x64xf32> to vector<1000x64xf32>
    %add3A_12 = arith.addf %dot_general3A_8, %add3A : vector<1000x64xf32>
    %gt3A = arith.constant 0.000000e+00 : f32
    %gt3A_13 = vector.broadcast %gt3A : f32 to vector<1000x64xf32>
    %gt3A_14 = arith.cmpf ogt, %add3A_12, %gt3A_13 : vector<1000x64xf32>
    %mul3A_15 = arith.constant 2.000000e-01 : f32
    %mul3A_16 = vector.broadcast %mul3A_15 : f32 to vector<1000x64xf32>
    %mul3A_17 = arith.mulf %mul3A_16, %add3A_12 : vector<1000x64xf32>
    %select_n3A = arith.select %gt3A_14, %add3A_12, %mul3A_17 : vector<1000x64xi1>, vector<1000x64xf32>
    %get3A_18 = arith.constant 0 : index
    %get3A_19 = arith.constant 0 : index
    %get3A_20 = vector.load %arg7[%get3A_18, %get3A_19] : memref<64x1xf32, #tpu.memory_space<vmem>>, vector<64x1xf32>
    %dot_general3A_21 = arith.constant dense<0.000000e+00> : vector<1000x1xf32>
    %dot_general3A_22 = tpu.matmul %select_n3A, %get3A_20, %dot_general3A_21 {dimension_numbers = #tpu.dot_dimension_numbers<[1], [0], [0], [1], [0, 0, 1, 1], [], []>, transpose_lhs_hint = false} : vector<1000x64xf32>, vector<64x1xf32>, vector<1000x1xf32> -> vector<1000x1xf32>
    %get3A_23 = arith.constant 0 : index
    %get3A_24 = arith.constant 0 : index
    %get3A_25 = vector.load %arg8[%get3A_23, %get3A_24] : memref<1x1xf32, #tpu.memory_space<vmem>>, vector<1x1xf32>
    %add3A_26 = vector.broadcast %get3A_25 : vector<1x1xf32> to vector<1000x1xf32>
    %add3A_27 = arith.addf %dot_general3A_22, %add3A_26 : vector<1000x1xf32>
    %swap3A = arith.constant 0 : index
    %swap3A_28 = arith.constant 0 : index
    %swap3A_29 = vector.load %arg9[%swap3A, %swap3A_28] : memref<1000x1xf32, #tpu.memory_space<vmem>>, vector<1000x1xf32>
    tpu.vector_store %arg9[%swap3A, %swap3A_28], %add3A_27 {strides = array<i32>} : memref<1000x1xf32, #tpu.memory_space<vmem>>, vector<1000x1xf32>,
    %get3A_30 = arith.constant 0 : index
    %get3A_31 = arith.constant 0 : index
    %get3A_32 = vector.load %arg3[%get3A_30, %get3A_31] : memref<1000x128xf32, #tpu.memory_space<vmem>>, vector<1000x128xf32>
    %get3A_33 = arith.constant 0 : index
    %get3A_34 = arith.constant 0 : index
    %get3A_35 = vector.load %arg4[%get3A_33, %get3A_34] : memref<1000x128xf32, #tpu.memory_space<vmem>>, vector<1000x128xf32>
    %mul3A_36 = arith.mulf %get3A_32, %get3A_35 : vector<1000x128xf32>
    %get3A_37 = arith.constant 0 : index
    %get3A_38 = arith.constant 0 : index
    %get3A_39 = vector.load %arg5[%get3A_37, %get3A_38] : memref<128x64xf32, #tpu.memory_space<vmem>>, vector<128x64xf32>
    %dot_general3A_40 = arith.constant dense<0.000000e+00> : vector<1000x64xf32>
    %dot_general3A_41 = tpu.matmul %mul3A_36, %get3A_39, %dot_general3A_40 {dimension_numbers = #tpu.dot_dimension_numbers<[1], [0], [0], [1], [0, 0, 1, 1], [], []>, transpose_lhs_hint = false} : vector<1000x128xf32>, vector<128x64xf32>, vector<1000x64xf32> -> vector<1000x64xf32>
    %get3A_42 = arith.constant 0 : index
    %get3A_43 = arith.constant 0 : index
    %get3A_44 = vector.load %arg6[%get3A_42, %get3A_43] : memref<1x64xf32, #tpu.memory_space<vmem>>, vector<1x64xf32>
    %add3A_45 = vector.broadcast %get3A_44 : vector<1x64xf32> to vector<1000x64xf32>
    %add3A_46 = arith.addf %dot_general3A_41, %add3A_45 : vector<1000x64xf32>
    %gt3A_47 = arith.constant 0.000000e+00 : f32
    %gt3A_48 = vector.broadcast %gt3A_47 : f32 to vector<1000x64xf32>
    %gt3A_49 = arith.cmpf ogt, %add3A_46, %gt3A_48 : vector<1000x64xf32>
    %mul3A_50 = arith.constant 2.000000e-01 : f32
    %mul3A_51 = vector.broadcast %mul3A_50 : f32 to vector<1000x64xf32>
    %mul3A_52 = arith.mulf %mul3A_51, %add3A_46 : vector<1000x64xf32>
    %select_n3A_53 = arith.select %gt3A_49, %add3A_46, %mul3A_52 : vector<1000x64xi1>, vector<1000x64xf32>
    %get3A_54 = arith.constant 0 : index
    %get3A_55 = arith.constant 0 : index
    %get3A_56 = vector.load %arg7[%get3A_54, %get3A_55] : memref<64x1xf32, #tpu.memory_space<vmem>>, vector<64x1xf32>
    %dot_general3A_57 = arith.constant dense<0.000000e+00> : vector<1000x1xf32>
    %dot_general3A_58 = tpu.matmul %select_n3A_53, %get3A_56, %dot_general3A_57 {dimension_numbers = #tpu.dot_dimension_numbers<[1], [0], [0], [1], [0, 0, 1, 1], [], []>, transpose_lhs_hint = false} : vector<1000x64xf32>, vector<64x1xf32>, vector<1000x1xf32> -> vector<1000x1xf32>
    %get3A_59 = arith.constant 0 : index
    %get3A_60 = arith.constant 0 : index
    %get3A_61 = vector.load %arg8[%get3A_59, %get3A_60] : memref<1x1xf32, #tpu.memory_space<vmem>>, vector<1x1xf32>
    %add3A_62 = vector.broadcast %get3A_61 : vector<1x1xf32> to vector<1000x1xf32>
    %add3A_63 = arith.addf %dot_general3A_58, %add3A_62 : vector<1000x1xf32>
    %swap3A_64 = arith.constant 0 : index
    %swap3A_65 = arith.constant 0 : index
    %swap3A_66 = vector.load %arg10[%swap3A_64, %swap3A_65] : memref<1000x1xf32, #tpu.memory_space<vmem>>, vector<1000x1xf32>
    tpu.vector_store %arg10[%swap3A_64, %swap3A_65], %add3A_63 {strides = array<i32>} : memref<1000x1xf32, #tpu.memory_space<vmem>>, vector<1000x1xf32>,
    return
  }
  func.func @transform_0(%arg0: i32) -> (i32, i32) {
    %c0_i32 = arith.constant 0 : i32
    %c0_i32_0 = arith.constant 0 : i32
    return %arg0, %c0_i32 : i32, i32
  }
  func.func @transform_1(%arg0: i32) -> (i32, i32) {
    %c0_i32 = arith.constant 0 : i32
    %c0_i32_0 = arith.constant 0 : i32
    return %arg0, %c0_i32 : i32, i32
  }
  func.func @transform_2(%arg0: i32) -> (i32, i32) {
    %c0_i32 = arith.constant 0 : i32
    %c0_i32_0 = arith.constant 0 : i32
    return %arg0, %c0_i32 : i32, i32
  }
  func.func @transform_3(%arg0: i32) -> (i32, i32) {
    %c0_i32 = arith.constant 0 : i32
    %c0_i32_0 = arith.constant 0 : i32
    return %arg0, %c0_i32 : i32, i32
  }
  func.func @transform_4(%arg0: i32) -> (i32, i32) {
    %c0_i32 = arith.constant 0 : i32
    %c0_i32_0 = arith.constant 0 : i32
    %c0_i32_1 = arith.constant 0 : i32
    return %c0_i32, %c0_i32_0 : i32, i32
  }
  func.func @transform_5(%arg0: i32) -> (i32, i32) {
    %c0_i32 = arith.constant 0 : i32
    %c0_i32_0 = arith.constant 0 : i32
    %c0_i32_1 = arith.constant 0 : i32
    return %c0_i32, %c0_i32_0 : i32, i32
  }
  func.func @transform_6(%arg0: i32) -> (i32, i32) {
    %c0_i32 = arith.constant 0 : i32
    %c0_i32_0 = arith.constant 0 : i32
    %c0_i32_1 = arith.constant 0 : i32
    return %c0_i32, %c0_i32_0 : i32, i32
  }
  func.func @transform_7(%arg0: i32) -> (i32, i32) {
    %c0_i32 = arith.constant 0 : i32
    %c0_i32_0 = arith.constant 0 : i32
    %c0_i32_1 = arith.constant 0 : i32
    return %c0_i32, %c0_i32_0 : i32, i32
  }
  func.func @transform_8(%arg0: i32) -> (i32, i32) {
    %c0_i32 = arith.constant 0 : i32
    %c0_i32_0 = arith.constant 0 : i32
    return %arg0, %c0_i32 : i32, i32
  }
  func.func @transform_9(%arg0: i32) -> (i32, i32) {
    %c0_i32 = arith.constant 0 : i32
    %c0_i32_0 = arith.constant 0 : i32
    return %arg0, %c0_i32 : i32, i32
  }
}

</mosaic_0001>

<sc_bundles>
// kernel: closed_call.15.cloned.1.call-start
scs
__scs_entry_jumppad:
0x0: {  	(pc) =	sbr.rel $0x88, $3  }
0x1: {  	(tag) =	ssettag $0x0;
	lr =	simm.s32 $0x1  }
0x2: {  	[smem:$0x3F93] =	sst lr;
	_ =	strace $0xD0000000  }
0x3: {  	_ = 	snop  }
0x4: {  	_ = 	snop  }
0x5: {  	_ = 	snop  }
0x6: {  	_ = 	snop  }
0x7: {  	_ = 	snop  }
__scs_overlays_trampoline_lowered:
0x8: {  	[smem:$0x3FA2] =	sst s0  }
0x9: {  	[smem:$0x3FA3] =	sst s1  }
0xa: {  	[smem:$0x3FA4] =	sst s2  }
0xb: {  	[smem:$0x3FA5] =	sst s3  }
0xc: {  	[smem:$0x3FA6] =	sst s4  }
0xd: {  	[smem:$0x3FA7] =	sst s5  }
0xe: {  	[smem:$0x3FA8] =	sst s6  }
0xf: {  	[smem:$0x3FA9] =	sst s7  }
0x10: {  	[smem:$0x3FAA] =	sst s8  }
0x11: {  	[smem:$0x3FAB] =	sst s9;
	s0 =	simm.s32 @!p0 $0x0  }
0x12: {  	s1 =	sld [smem:$0x3F91];
	s0 =	simm.s32 @p0 $0x1  }
0x13: {  	[smem:$0x3FAC] =	sst s0;
	s0 =	simm.s32 @!p1 $0x0  }
0x14: {  	s2 =	sld [smem:$0x3F90];
	s0 =	simm.s32 @p1 $0x1  }
0x15: {  	[smem:$0x3FAD] =	sst s0;
	s0 =	simm.s32 @!p2 $0x0  }
0x16: {  	s3 =	sld [smem:$0x3FDB];
	s0 =	simm.s32 @p2 $0x1  }
0x17: {  	s4 =	simm.s32 $0x1BF5;
	[smem:$0x3FAF] =	sst s0  }
0x18: {  	s0 =	sld [smem:$0x3F92];
	_ =	swait.ge [sflag:s4], $0x0  }
0x19: {  	s7 =	sld [smem:$0x3F93]  }
0x1a: {  	s8 =	sadd.s32 $0xFFFFE003, lr  }
0x1b: {  	s9 =	sadd.s32 $0xFFFFFEF7, lr;
	s5 =	simm.s32 $0xFFFFFFFF;
	p2 =	slt.u32 s8, $0xFFFFF086  }
0x1c: {  	p1 =	slt.u32 s9, $0xF7A;
	s5 =	simm.s32 @!p2 $0x0  }
0x1d: {  	s5 =	simm.s32 @p1 $0x1;
	p0 =	seq.s32 s7, s2  }
0x1e: {  	s7 =	smul.u32 @!p0 $0xF7A, s2;
	p2 =	seq.s32 @!p0 s5, $0x0  }
0x1f: {  	s9 =	smul.u32 $0xF7A, s1;
	s8 =	simm.s32 @!p0 $0x1BF5;
	p2 =	por !p2, p0  }
0x20: {  	[sflag:s8] =	ssyncset.s32 @!p0 $0xFFFFF086;
	s6 =	sadd.s32 @!p0 s3, s7;
	s7 =	simm.s32 @!p0 $0x108  }
0x21: {  	s3 =	sadd.s32 s3, s9;
	s6 =	sadd.s32 @!p0 $0x88, s6;
	s7 =	simm.s32 @p2 $0x1082  }
0x22: {  	[simem:s7], [sflag:s8] =	dma.local @!p0 [hbm:s6], $0xF7A  }
0x23: {  	s9 =	sor.u32 $0xD0000000, s2;
	s6 =	simm.s32 $0x108;
	_ =	swait.ge @!p0 [sflag:s8], $0x0  }
0x24: {  	s3 =	sadd.s32 $0x88, s3;
	s6 =	simm.s32 @!p1 $0x1082;
	[sflag:s4] =	ssyncset.s32 $0xFFFFF086  }
0x25: {  	[simem:s6], [sflag:s4] =	dma.local [hbm:s3], $0xF7A  }
0x26: {  	[smem:$0x3F93] =	sst s1;
	(tag) =	ssettag s2;
	_ =	strace s9  }
0x27: {  	s1 =	sld [smem:$0x3FA3]  }
0x28: {  	s2 =	sld [smem:$0x3FA4]  }
0x29: {  	s4 =	sld [smem:$0x3FA6]  }
0x2a: {  	p0 =	seq.s32 s5, $0x0;
	s5 =	sld [smem:$0x3FA7]  }
0x2b: {  	s6 =	sld [smem:$0x3FA8]  }
0x2c: {  	s7 =	sld [smem:$0x3FA9]  }
0x2d: {  	s3 =	simm.s32 $0x108;
	s8 =	sld [smem:$0x3FAA]  }
0x2e: {  	s3 =	simm.s32 @!p0 $0x1082;
	s9 =	sld [smem:$0x3FAB]  }
0x2f: {  	lr =	sadd.s32 s0, s3;
	s0 =	sld [smem:$0x3FA2]  }
0x30: {  	s3 =	sld [smem:$0x3FA5]  }
0x31: {  	[smem:$0x3FAE] =	sst s10  }
0x32: {  	s10 =	sld [smem:$0x3FAC];
	_ =	sdelay $0x3  }
0x33: {  	p0 =	seq.s32 s10, $0x1;
	s10 =	sld [smem:$0x3FAE];
	_ =	sdelay $0x3  }
0x34: {  	[smem:$0x3FAE] =	sst s10  }
0x35: {  	s10 =	sld [smem:$0x3FAD];
	_ =	sdelay $0x3  }
0x36: {  	p1 =	seq.s32 s10, $0x1;
	s10 =	sld [smem:$0x3FAE];
	_ =	sdelay $0x3  }
0x37: {  	[smem:$0x3FAE] =	sst s10  }
0x38: {  	s10 =	sld [smem:$0x3FAF]  }
0x39: {  	_ = 	snop;
	(pc) =	sbr.ind lr, $3  }
0x3a: {  	_ = 	snop  }
0x3b: {  	_ = 	snop  }
0x3c: {  	p2 =	seq.s32 s10, $0x1;
	s10 =	sld [smem:$0x3FAE]  }
0x3d: {  	_ =	shalt  }
0x3e: {  	_ =	shalt  }
0x3f: {  	_ =	shalt  }
0x40: {  	_ =	shalt  }
0x41: {  	_ =	shalt  }
0x42: {  	_ =	shalt  }
0x43: {  	_ =	shalt  }
0x44: {  	_ =	shalt  }
0x45: {  	_ =	shalt  }
0x46: {  	_ =	shalt  }
0x47: {  	_ =	shalt  }
0x48: {  	_ =	shalt  }
0x49: {  	_ =	shalt  }
0x4a: {  	_ =	shalt  }
0x4b: {  	_ =	shalt  }
0x4c: {  	_ =	shalt  }
0x4d: {  	_ =	shalt  }
0x4e: {  	_ =	shalt  }
0x4f: {  	_ =	shalt  }
0x50: {  	_ =	shalt  }
0x51: {  	_ =	shalt  }
0x52: {  	_ =	shalt  }
0x53: {  	_ =	shalt  }
0x54: {  	_ =	shalt  }
0x55: {  	_ =	shalt  }
0x56: {  	_ =	shalt  }
0x57: {  	_ =	shalt  }
0x58: {  	_ =	shalt  }
0x59: {  	_ =	shalt  }
0x5a: {  	_ =	shalt  }
0x5b: {  	_ =	shalt  }
0x5c: {  	_ =	shalt  }
0x5d: {  	_ =	shalt  }
0x5e: {  	_ =	shalt  }
0x5f: {  	_ =	shalt  }
0x60: {  	_ =	shalt  }
0x61: {  	_ =	shalt  }
0x62: {  	_ =	shalt  }
0x63: {  	_ =	shalt  }
0x64: {  	_ =	shalt  }
0x65: {  	_ =	shalt  }
0x66: {  	_ =	shalt  }
0x67: {  	_ =	shalt  }
0x68: {  	_ =	shalt  }
0x69: {  	_ =	shalt  }
0x6a: {  	_ =	shalt  }
0x6b: {  	_ =	shalt  }
0x6c: {  	_ =	shalt  }
0x6d: {  	_ =	shalt  }
0x6e: {  	_ =	shalt  }
0x6f: {  	_ =	shalt  }
0x70: {  	_ =	shalt  }
0x71: {  	_ =	shalt  }
0x72: {  	_ =	shalt  }
0x73: {  	_ =	shalt  }
0x74: {  	_ =	shalt  }
0x75: {  	_ =	shalt  }
0x76: {  	_ =	shalt  }
0x77: {  	_ =	shalt  }
0x78: {  	_ =	shalt  }
0x79: {  	_ =	shalt  }
0x7a: {  	_ =	shalt  }
0x7b: {  	_ =	shalt  }
0x7c: {  	_ =	shalt  }
0x7d: {  	_ =	shalt  }
0x7e: {  	_ =	shalt  }
0x7f: {  	_ =	shalt  }
0x80: {  	_ =	shalt  }
0x81: {  	_ =	shalt  }
0x82: {  	_ =	shalt  }
0x83: {  	_ =	shalt  }
0x84: {  	_ =	shalt  }
0x85: {  	_ =	shalt  }
0x86: {  	_ =	shalt  }
0x87: {  	_ =	shalt  }
.Lfunc_end0:
.L_simem_size_0:
called_computation_lowered:
.L_overlay_start_0:
0x88: {  	s2 =	sld [smem:$0x3FD9]  }
0x89: {  	s3 =	sld [smem:$0x3FFE];
	_ =	sdelay $0x1  }
0x8a: {  	s1 =	srdreg.scid  }
0x8b: {  	s0 =	sand.u32 $0x1, s1  }
0x8c: {  	s14 =	sshll.u32 s0, $0xA;
	s2 =	sadd.s32 s3, s2  }
0x8d: {  	s2 =	sadd.s32 s2, s14  }
0x8e: {  	[smem:$0x3FBA] =	sst s2  }
0x8f: {  	_ = 	snop  }
0x90: {  	s2 =	sld [smem:$0x3FD0];
	_ =	sdelay $0x2  }
0x91: {  	s15 =	simm.s32 $0xA;
	s4 =	simm.s32 $0x10  }
0x92: {  	[smem:s4], [sflag:s15] =	dma.local [hbm:s2], $0x1  }
0x93: {  	_ =	swait.eq [sflag:s15], $0x1  }
0x94: {  	[sflag:s15] =	ssyncset.done $0x0  }
0x95: {  	[sflag:s15] =	ssyncadd.s32 $0xFFFFFFFF  }
0x96: {  	s16 =	sld [smem:$0x12];
	(tm) =	ssettm $0x1  }
0x97: {  	s17 =	sld [smem:$0x3FFB];
	_ =	sdelay $0x3  }
0x98: {  	_ =	strace s17  }
0x99: {  	s3 =	sld [smem:$0x3FFC];
	_ =	sdelay $0x3  }
0x9a: {  	_ =	strace s3  }
0x9b: {  	s3 =	sld [smem:$0x3FFD];
	_ =	sdelay $0x3  }
0x9c: {  	_ =	strace s3  }
0x9d: {  	_ =	strace $0x8FFFFFFF  }
0x9e: {  	s18 =	sld [smem:$0x3FDB];
	_ =	sdelay $0x1  }
0x9f: {  	s19 =	simm.s32 $_scs_section_size  }
0xa0: {  	s5 =	simm.s32 $_size__tile_overlayer_lowered;
	s6 =	simm.s32 $_tile_overlayer_lowered  }
0xa1: {  	s22 =	simm.s32 $0x1BFF;
	s21 =	sshll.u32 s6, $0x1;
	s3 =	sadd.s32 s19, s18  }
0xa2: {  	s7 =	simm.s32 $0x0;
	s20 =	sshll.u32 s5, $0x1;
	s5 =	sadd.s32 s21, s3  }
0xa3: {  	[timem:s7], [sflag:s22] =	dma.local [hbm:s5], s20  }
0xa4: {  	_ =	swait.ge [sflag:s22], s20  }
0xa5: {  	s4 =	ssub.s32 $0x0, s20;
	[sflag:s22] =	ssyncset.done $0x0  }
0xa6: {  	[sflag:s22] =	ssyncadd.s32 s4;
	_ =	sdelay $0x1  }
0xa7: {  	s23 =	simm.s32 $0x1B8B  }
0xa8: {  	_ =	swait.ge [sflag:s23], $0x1  }
0xa9: {  	[sflag:s23] =	ssyncset.done $0x0  }
0xaa: {  	s25 =	simm.s32 $0x1B8E;
	s24 =	sld [smem:$0x3FFE];
	[sflag:s23] =	ssyncadd.s32 $0xFFFFFFFF  }
0xab: {  	s26 =	simm.s32 $execute0_lowered;
	[smem:$0x3FD2] =	sst s25  }
0xac: {  	s5 =	sshll.u32 s26, $0x1;
	_ =	strace $0x80000049;
	[dreg:$0x1] =	wrdreg $0xFFFFFFFF  }
0xad: {  	s28 =	simm.s32 $_size_execute0_lowered;
	s3 =	sadd.s32 s3, s5;
	[dreg:$0x0] =	wrdreg $0x0  }
0xae: {  	s5 =	sshll.u32 s28, $0x1;
	[dreg:$0x2] =	wrdreg s3  }
0xaf: {  	[dreg:$0x3] =	wrdreg s5  }
0xb0: {  	[dreg:$0x4] =	wrdreg $0xC0  }
0xb1: {  	_ =	task [dreg:s7], $0x5FFFF  }
0xb2: {  	[dreg:$0x1] =	wrdreg $0xFFFFFFFF  }
0xb3: {  	[dreg:$0x0] =	wrdreg $0x60  }
0xb4: {  	[dreg:$0x2] =	wrdreg s16  }
0xb5: {  	[dreg:$0x3] =	wrdreg s24  }
0xb6: {  	[dreg:$0x4] =	wrdreg $0xA8000  }
0xb7: {  	[dreg:$0x5] =	wrdreg $0x9  }
0xb8: {  	_ =	task.clear_ibuf [dreg:s7], $0x6FFFF;
	_ =	strace $0x90000049  }
0xb9: {  	s29 =	simm.s32 $0x9;
	_ =	strace $0x8000004B  }
0xba: {  	_ =	swait.ge [sflag:s29], $0x1  }
0xbb: {  	[sflag:s29] =	ssyncadd.s32 $0xFFFFFFFF  }
0xbc: {  	_ =	strace $0x9000004B  }
0xbd: {  	_ =	sfence  }
0xbe: {  	s30 =	sld [smem:$0x0];
	_ =	sdelay $0x2  }
0xbf: {  	s31 =	sshll.u32 s1, $0xD;
	s1 =	sshrl.u32 s1, $0x2  }
0xc0: {  	s3 =	sand.u32 $0x4000, s31;
	s1 =	sadd.s32 s1, s30  }
0xc1: {  	s0 =	sor.u32 s3, s0;
	s1 =	sshll.u32 s1, $0x11  }
0xc2: {  	s0 =	sor.u32 s1, s0  }
0xc3: {  	s0 =	sadd.s32 $0x8F2B, s0  }
0xc4: {  	[sflag:s0] =	ssyncadd.remote.s32 $0x1  }
0xc5: {  	_ =	sfence.sel $0xFFFF  }
0xc6: {  	[dreg:$0x0] =	wrdreg $0xFFFFFFFF;
	(pc) =	sbr.abs _section_cstart, $3  }
0xc7: {  	[dreg:$0x1] =	wrdreg $0xFFFFFFFF  }
0xc8: {  	_ =	task.clear_ibuf [dreg:s7], $0x2FFFF;
	_ =	strace $0x9FFFFFFF  }
0xc9: {  	(tm) =	ssettm $0x7FFFFFFF  }
tec
execute0_lowered:
.L_overlay_start_1:
0x0: {  	(tag) =	ssettag $0x1  }
0x1: {  	s1 =	rddreg [dreg:$0x0]  }
0x2: {  	s6 =	rddreg [dreg:$0x1]  }
0x3: {  	s2 =	rddreg [dreg:$0x2]  }
0x4: {  	s0 =	rddreg [dreg:$0x3];
	s3 =	simm.s32 $0x0  }
0x5: {  	s7 =	srdreg.scid;
	s4 =	stileid.u32;
	s19 =	simm.s32 $0x2800  }
0x6: {  	s20 =	simm.s32 $0x1;
	s21 =	simm.s32 $0x6800;
	s22 =	simm.s32 $0x2  }
0x7: {  	s23 =	simm.s32 $0x1380;
	s24 =	simm.s32 $0x2700;
	[smem:$0x7FF] =	sst s3  }
0x8: {  	s9 =	sadd.s32 $0x3800, s6;
	s10 =	sadd.s32 $0xD800, s6;
	s5 =	sadd.s32 $0x17800, s6  }
0x9: {  	s7 =	sand.u32 $0x1, s7;
	s8 =	sshll.u32 s4, $0x1;
	s12 =	smul.u32 $0x4E000, s4  }
0xa: {  	s13 =	sadd.s32 $0x1A000, s6;
	s29 =	sshll.u32 s4, $0x6;
	s17 =	sadd.s32 $0x138000, s2  }
0xb: {  	s18 =	smul.u32 $0x13800, s4;
	p0 =	sne.s32 s4, $0xF;
	_ =	strace $0x8000004A  }
0xc: {  	s11 =	ssub.s32 $0x2, s7;
	s8 =	sor.u32 s7, s8;
	s30 =	smul.u32 $0x138800, s7  }
0xd: {  	s6 =	sor.u32 $0x1C03, s29;
	s25 =	sshrl.u32 s11, $0x1;
	s14 =	smul.u32 $0x500, s8  }
0xe: {  	s26 =	sshrl.u32 s12, $0x2;
	s28 =	smul.u32 $0x2800, s8;
	s15 =	ssub.s32 s11, s25  }
0xf: {  	s16 =	sadd.s32 s26, s2;
	s31 =	sadd.s32 s18, s30;
	s12 =	sshrl.u32 s30, $0x3  }
0x10: {  	s18 =	simm.s32 $0x7D;
	s25 =	simm.s32 $0x2780;
	s26 =	simm.s32 $0x0  }
0x11: {  	s7 =	sadd.s32 s9, s14;
	s8 =	sadd.s32 s10, s14;
	s11 =	sshrl.u32 s28, $0x3  }
0x12: {  	s14 =	sshrl.u32 s31, $0x3;
	s12 =	sadd.s32 s13, s12;
	s11 =	sadd.s32 $0x280, s11  }
0x13: {  	s12 =	sadd.s32 $0x27000, s12;
	s9 =	sadd.s32 s9, s11;
	s10 =	sadd.s32 s10, s11  }
0x14: {  	s11 =	sadd.s32 s13, s14;
	s13 =	smax.u32 s15, $0x1;
	s14 =	sshrl.u32 s16, $0x3  }
0x15: {  	s15 =	simm.s32 $0x3;
	s16 =	sshrl.u32 @!p0 s17, $0x3;
	s17 =	simm.s32 $0x1400  }
.LBB2_1:
0x16: {  	[spmem:s14], [sflag:s6] =	dma.local [hbm:s5], $0x2700  }
0x17: {  	_ =	swait.ge [sflag:s15], $0x2700  }
0x18: {  	[sflag:s15] =	ssyncset.done $0x0  }
0x19: {  	s28 =	simm.s32 @!p0 $0x3;
	[sflag:s15] =	ssyncadd.s32 $0xFFFFD900  }
0x1a: {  	[spmem:s16], [sflag:s6] =	dma.local @!p0 [hbm:s5], $0x100  }
0x1b: {  	_ =	swait.ge @!p0 [sflag:s28], $0x100  }
0x1c: {  	[sflag:s28] =	ssyncset.done @!p0 $0x0  }
0x1d: {  	[sflag:s28] =	ssyncadd.s32 @!p0 $0xFFFFFF00  }
0x1e: {  	[bflag:$0x0] =	sbarrier.arrive $0xFFFF  }
0x1f: {  	[tilespmem:s3], [sflag:$0x3] =	stream.linear.gather [hbm4b:s7+s3], $0x1400, $0x38;
	[tilespmem:$0x1E080] =	vst v63  }
0x20: {  	_ =	swait.ge [sflag:s15], $0x1400  }
0x21: {  	[sflag:s15] =	ssyncset.done $0x0  }
0x22: {  	[sflag:s15] =	ssyncadd.s32 $0xFFFFEC00  }
0x23: {  	[tilespmem:s17], [sflag:$0x3] =	stream.linear.gather [hbm4b:s8+s3], $0x1400, $0x38;
	[tilespmem:$0x1E080] =	vst v63  }
0x24: {  	_ =	swait.ge [sflag:s15], $0x1400  }
0x25: {  	[sflag:s15] =	ssyncset.done $0x0  }
0x26: {  	[sflag:s15] =	ssyncadd.s32 $0xFFFFEC00  }
0x27: {  	[tilespmem:s19], [sflag:$0x1] =	stream.indirect.gather [hbm4b:s1+s18], $0x80, s3, s18, $0xb8;
	[tilespmem:$0x1E080] =	vst v63  }
0x28: {  	_ =	swait.ge [sflag:s20], $0x3E80  }
0x29: {  	[sflag:s20] =	ssyncset.done $0x0  }
0x2a: {  	s28 =	simm.s32 $0x80;
	[sflag:s20] =	ssyncadd.s32 $0xFFFFC180  }
0x2b: {  	[tilespmem:s21], [sflag:$0x2] =	stream.indirect.gather [hbm4b:s1+s18], $0x80, s28, s18, $0xb8;
	[tilespmem:$0x1E080] =	vst v63  }
0x2c: {  	s28 =	simm.s32 $0x1400  }
0x2d: {  	[spmem:s2] =	stream.indirect.scatter.add.f32 [tilespmem:s19], [sflag:$0x3], $0x80, s28, s18, $0xb8;
	[tilespmem:$0x1E080] =	vst v63  }
0x2e: {  	_ =	swait.ge [sflag:s15], $0x3E80  }
0x2f: {  	[sflag:s15] =	ssyncset.done $0x0  }
0x30: {  	s28 =	simm.s32 $0x100;
	[sflag:s15] =	ssyncadd.s32 $0xFFFFC180  }
0x31: {  	[tilespmem:s19], [sflag:$0x1] =	stream.indirect.gather [hbm4b:s1+s18], $0x80, s28, s18, $0xb8;
	[tilespmem:$0x1E080] =	vst v63  }
0x32: {  	_ =	swait.ge [sflag:s22], $0x3E80  }
0x33: {  	[sflag:s22] =	ssyncset.done $0x0  }
0x34: {  	s28 =	simm.s32 $0x1480;
	[sflag:s22] =	ssyncadd.s32 $0xFFFFC180  }
0x35: {  	[spmem:s2] =	stream.indirect.scatter.add.f32 [tilespmem:s21], [sflag:$0x3], $0x80, s28, s18, $0xb8;
	[tilespmem:$0x1E080] =	vst v63  }
0x36: {  	_ =	swait.ge [sflag:s15], $0x3E80  }
0x37: {  	s28 =	simm.s32 $0x400;
	[sflag:s15] =	ssyncset.done $0x0  }
.LBB2_2:
0x38: {  	p1 =	sne.s32 s28, $0x4800  }
0x39: {  	[sflag:s15] =	ssyncadd.s32 $0xFFFFC180;
	s29 =	smov.u32 s28;
	s28 =	sadd.s32 $0x400, s28  }
0x3a: {  	_ =	swait.ge [sflag:s20], $0x3E80  }
0x3b: {  	s29 =	sshra.s32 s29, $0x2;
	[sflag:s20] =	ssyncset.done $0x0  }
0x3c: {  	s30 =	sadd.s32 $0x80, s29;
	[sflag:s20] =	ssyncadd.s32 $0xFFFFC180  }
0x3d: {  	[tilespmem:s21], [sflag:$0x2] =	stream.indirect.gather [hbm4b:s1+s18], $0x80, s30, s18, $0xb8;
	[tilespmem:$0x1E080] =	vst v63  }
0x3e: {  	s30 =	sadd.s32 $0x1400, s29  }
0x3f: {  	[spmem:s2] =	stream.indirect.scatter.add.f32 [tilespmem:s19], [sflag:$0x3], $0x80, s30, s18, $0xb8;
	[tilespmem:$0x1E080] =	vst v63  }
0x40: {  	_ =	swait.ge [sflag:s15], $0x3E80  }
0x41: {  	[sflag:s15] =	ssyncset.done $0x0  }
0x42: {  	s30 =	sadd.s32 $0x100, s29;
	[sflag:s15] =	ssyncadd.s32 $0xFFFFC180  }
0x43: {  	[tilespmem:s19], [sflag:$0x1] =	stream.indirect.gather [hbm4b:s1+s18], $0x80, s30, s18, $0xb8;
	[tilespmem:$0x1E080] =	vst v63  }
0x44: {  	_ =	swait.ge [sflag:s22], $0x3E80  }
.Ltmp0:
0x45: {  	[sflag:s22] =	ssyncset.done $0x0;
	(pc) =	sbr.rel @p1 .LBB2_2-.Ltmp0, $4  }
0x46: {  	s29 =	sadd.s32 $0x1480, s29;
	[sflag:s22] =	ssyncadd.s32 $0xFFFFC180  }
0x47: {  	[spmem:s2] =	stream.indirect.scatter.add.f32 [tilespmem:s21], [sflag:$0x3], $0x80, s29, s18, $0xb8;
	[tilespmem:$0x1E080] =	vst v63  }
0x48: {  	_ =	swait.ge [sflag:s15], $0x3E80  }
0x49: {  	[sflag:s15] =	ssyncset.done $0x0  }
0x4a: {  	[sflag:s15] =	ssyncadd.s32 $0xFFFFC180  }
0x4b: {  	_ =	swait.ge [sflag:s20], $0x3E80  }
0x4c: {  	[sflag:s20] =	ssyncset.done $0x0  }
0x4d: {  	[sflag:s20] =	ssyncadd.s32 $0xFFFFC180  }
0x4e: {  	[tilespmem:s21], [sflag:$0x2] =	stream.indirect.gather [hbm4b:s1+s18], $0x80, s23, s18, $0xb8;
	[tilespmem:$0x1E080] =	vst v63  }
0x4f: {  	_ = 	snop  }
0x50: {  	[spmem:s2] =	stream.indirect.scatter.add.f32 [tilespmem:s19], [sflag:$0x3], $0x80, s24, s18, $0xb8;
	[tilespmem:$0x1E080] =	vst v63  }
0x51: {  	_ =	swait.ge [sflag:s15], $0x3E80  }
0x52: {  	[sflag:s15] =	ssyncset.done $0x0  }
0x53: {  	[sflag:s15] =	ssyncadd.s32 $0xFFFFC180  }
0x54: {  	_ =	swait.ge [sflag:s22], $0x3E80  }
0x55: {  	[sflag:s22] =	ssyncset.done $0x0  }
0x56: {  	[sflag:s22] =	ssyncadd.s32 $0xFFFFC180  }
0x57: {  	[spmem:s2] =	stream.indirect.scatter.add.f32 [tilespmem:s21], [sflag:$0x3], $0x80, s25, s18, $0xb8;
	[tilespmem:$0x1E080] =	vst v63  }
0x58: {  	_ =	swait.ge [sflag:s15], $0x3E80  }
0x59: {  	[sflag:s15] =	ssyncset.done $0x0  }
0x5a: {  	s28 =	simm.s32 $0x0;
	[sflag:s15] =	ssyncadd.s32 $0xFFFFC180  }
0x5b: {  	[tilespmem:s28], [sflag:$0x3] =	stream.linear.gather [hbm4b:s9+s28], $0x1400, $0x38;
	[tilespmem:$0x1E080] =	vst v63  }
0x5c: {  	_ =	swait.ge [sflag:s15], $0x1400  }
0x5d: {  	[sflag:s15] =	ssyncset.done $0x0  }
0x5e: {  	[sflag:s15] =	ssyncadd.s32 $0xFFFFEC00  }
0x5f: {  	[tilespmem:s17], [sflag:$0x3] =	stream.linear.gather [hbm4b:s10+s28], $0x1400, $0x38;
	[tilespmem:$0x1E080] =	vst v63  }
0x60: {  	_ =	swait.ge [sflag:s15], $0x1400  }
0x61: {  	[sflag:s15] =	ssyncset.done $0x0  }
0x62: {  	[sflag:s15] =	ssyncadd.s32 $0xFFFFEC00  }
0x63: {  	[tilespmem:s19], [sflag:$0x1] =	stream.indirect.gather [hbm4b:s1+s18], $0x80, s28, s18, $0xb8;
	[tilespmem:$0x1E080] =	vst v63  }
0x64: {  	_ =	swait.ge [sflag:s20], $0x3E80  }
0x65: {  	[sflag:s20] =	ssyncset.done $0x0  }
0x66: {  	s28 =	simm.s32 $0x80;
	[sflag:s20] =	ssyncadd.s32 $0xFFFFC180  }
0x67: {  	[tilespmem:s21], [sflag:$0x2] =	stream.indirect.gather [hbm4b:s1+s18], $0x80, s28, s18, $0xb8;
	[tilespmem:$0x1E080] =	vst v63  }
0x68: {  	s28 =	simm.s32 $0x1400  }
0x69: {  	[spmem:s2] =	stream.indirect.scatter.add.f32 [tilespmem:s19], [sflag:$0x3], $0x80, s28, s18, $0xb8;
	[tilespmem:$0x1E080] =	vst v63  }
0x6a: {  	_ =	swait.ge [sflag:s15], $0x3E80  }
0x6b: {  	[sflag:s15] =	ssyncset.done $0x0  }
0x6c: {  	s28 =	simm.s32 $0x100;
	[sflag:s15] =	ssyncadd.s32 $0xFFFFC180  }
0x6d: {  	[tilespmem:s19], [sflag:$0x1] =	stream.indirect.gather [hbm4b:s1+s18], $0x80, s28, s18, $0xb8;
	[tilespmem:$0x1E080] =	vst v63  }
0x6e: {  	_ =	swait.ge [sflag:s22], $0x3E80  }
0x6f: {  	[sflag:s22] =	ssyncset.done $0x0  }
0x70: {  	s28 =	simm.s32 $0x1480;
	[sflag:s22] =	ssyncadd.s32 $0xFFFFC180  }
0x71: {  	[spmem:s2] =	stream.indirect.scatter.add.f32 [tilespmem:s21], [sflag:$0x3], $0x80, s28, s18, $0xb8;
	[tilespmem:$0x1E080] =	vst v63  }
0x72: {  	_ =	swait.ge [sflag:s15], $0x3E80  }
0x73: {  	s28 =	simm.s32 $0x400;
	[sflag:s15] =	ssyncset.done $0x0  }
.LBB2_4:
0x74: {  	p1 =	sne.s32 s28, $0x4800  }
0x75: {  	[sflag:s15] =	ssyncadd.s32 $0xFFFFC180;
	s29 =	smov.u32 s28;
	s28 =	sadd.s32 $0x400, s28  }
0x76: {  	_ =	swait.ge [sflag:s20], $0x3E80  }
0x77: {  	s29 =	sshra.s32 s29, $0x2;
	[sflag:s20] =	ssyncset.done $0x0  }
0x78: {  	s30 =	sadd.s32 $0x80, s29;
	[sflag:s20] =	ssyncadd.s32 $0xFFFFC180  }
0x79: {  	[tilespmem:s21], [sflag:$0x2] =	stream.indirect.gather [hbm4b:s1+s18], $0x80, s30, s18, $0xb8;
	[tilespmem:$0x1E080] =	vst v63  }
0x7a: {  	s30 =	sadd.s32 $0x1400, s29  }
0x7b: {  	[spmem:s2] =	stream.indirect.scatter.add.f32 [tilespmem:s19], [sflag:$0x3], $0x80, s30, s18, $0xb8;
	[tilespmem:$0x1E080] =	vst v63  }
0x7c: {  	_ =	swait.ge [sflag:s15], $0x3E80  }
0x7d: {  	[sflag:s15] =	ssyncset.done $0x0  }
0x7e: {  	s30 =	sadd.s32 $0x100, s29;
	[sflag:s15] =	ssyncadd.s32 $0xFFFFC180  }
0x7f: {  	[tilespmem:s19], [sflag:$0x1] =	stream.indirect.gather [hbm4b:s1+s18], $0x80, s30, s18, $0xb8;
	[tilespmem:$0x1E080] =	vst v63  }
0x80: {  	_ =	swait.ge [sflag:s22], $0x3E80  }
.Ltmp1:
0x81: {  	[sflag:s22] =	ssyncset.done $0x0;
	(pc) =	sbr.rel @p1 .LBB2_4-.Ltmp1, $4  }
0x82: {  	s29 =	sadd.s32 $0x1480, s29;
	[sflag:s22] =	ssyncadd.s32 $0xFFFFC180  }
0x83: {  	[spmem:s2] =	stream.indirect.scatter.add.f32 [tilespmem:s21], [sflag:$0x3], $0x80, s29, s18, $0xb8;
	[tilespmem:$0x1E080] =	vst v63  }
0x84: {  	_ =	swait.ge [sflag:s15], $0x3E80  }
0x85: {  	[sflag:s15] =	ssyncset.done $0x0  }
0x86: {  	[sflag:s15] =	ssyncadd.s32 $0xFFFFC180  }
0x87: {  	_ =	swait.ge [sflag:s20], $0x3E80  }
0x88: {  	[sflag:s20] =	ssyncset.done $0x0  }
0x89: {  	[sflag:s20] =	ssyncadd.s32 $0xFFFFC180  }
0x8a: {  	[tilespmem:s21], [sflag:$0x2] =	stream.indirect.gather [hbm4b:s1+s18], $0x80, s23, s18, $0xb8;
	[tilespmem:$0x1E080] =	vst v63  }
0x8b: {  	_ = 	snop  }
0x8c: {  	[spmem:s2] =	stream.indirect.scatter.add.f32 [tilespmem:s19], [sflag:$0x3], $0x80, s24, s18, $0xb8;
	[tilespmem:$0x1E080] =	vst v63  }
0x8d: {  	_ =	swait.ge [sflag:s15], $0x3E80  }
0x8e: {  	[sflag:s15] =	ssyncset.done $0x0  }
0x8f: {  	[sflag:s15] =	ssyncadd.s32 $0xFFFFC180  }
0x90: {  	_ =	swait.ge [sflag:s22], $0x3E80  }
0x91: {  	[sflag:s22] =	ssyncset.done $0x0  }
0x92: {  	[sflag:s22] =	ssyncadd.s32 $0xFFFFC180  }
0x93: {  	[spmem:s2] =	stream.indirect.scatter.add.f32 [tilespmem:s21], [sflag:$0x3], $0x80, s25, s18, $0xb8;
	[tilespmem:$0x1E080] =	vst v63  }
0x94: {  	_ =	swait.ge [sflag:s15], $0x3E80  }
0x95: {  	[sflag:s15] =	ssyncset.done $0x0  }
0x96: {  	[sflag:s15] =	ssyncadd.s32 $0xFFFFC180  }
0x97: {  	[bflag:$0x0] =	sbarrier.arrive $0xFFFF  }
0x98: {  	[hbm:s11], [sflag:s6] =	dma.local [spmem:s14], $0x2700  }
0x99: {  	s26 =	sadd.s32 $0x1, s26;
	_ =	swait.ge [sflag:s15], $0x2700  }
0x9a: {  	p1 =	sne.s32 s26, s13;
	[sflag:s15] =	ssyncset.done $0x0  }
.Ltmp2:
0x9b: {  	s28 =	simm.s32 @!p0 $0x3;
	[sflag:s15] =	ssyncadd.s32 $0xFFFFD900;
	(pc) =	sbr.rel @p1 .LBB2_1-.Ltmp2, $4  }
0x9c: {  	[hbm:s12], [sflag:s6] =	dma.local @!p0 [spmem:s16], $0x100  }
0x9d: {  	_ =	swait.ge @!p0 [sflag:s28], $0x100  }
0x9e: {  	[sflag:s28] =	ssyncset.done @!p0 $0x0  }
0x9f: {  	[sflag:s28] =	ssyncadd.s32 @!p0 $0xFFFFFF00  }
0xa0: {  	_ =	sfence.sel $0x180000  }
0xa1: {  	[bflag:$0x0] =	sbarrier.arrive $0xFFFF  }
0xa2: {  	p0 =	sne.s32 s4, $0x0;
	_ =	strace $0x9000004A  }
0xa3: {  	s0 =	sadd.s32 @!p0 $0x100000, s0;
	[bflag:$0x2] =	sbarrier.arrive $0xFFFF  }
0xa4: {  	[sflag:s0] =	ssyncadd.tile.s32 @!p0 $0x1;
	_ =	shalt  }
.Lfunc_end2:
_tile_overlayer_lowered:
.L_overlay_start_2:
0xa5: {  	(tag) =	ssettag $0x2  }
0xa6: {  	s0 =	rddreg [dreg:$0x0];
	s2 =	stileid.u32  }
0xa7: {  	s1 =	rddreg [dreg:$0x1];
	p0 =	sne.s32 s2, $0x0  }
0xa8: {  	s3 =	rddreg [dreg:$0x2];
	[bflag:$0x3] =	sbarrier.arrive $0xFFFF;
	s2 =	simm.s32 @!p0 $0x1C03  }
0xa9: {  	[timem:s3], [sflag:s2] =	dma.local @!p0 [hbm:s0], s1  }
0xaa: {  	s0 =	simm.s32 @!p0 $0x3  }
0xab: {  	_ =	swait.ge @!p0 [sflag:s0], s1  }
0xac: {  	s1 =	ssub.s32 @!p0 $0x0, s1;
	[sflag:s0] =	ssyncset.done @!p0 $0x0  }
0xad: {  	[sflag:s0] =	ssyncadd.s32 @!p0 s1  }
0xae: {  	[bflag:$0x3] =	sbarrier.arrive $0xFFFF  }
0xaf: {  	_ =	shalt  }

// kernel: kernel.5.cloned.1.call-start
scs
__scs_entry_jumppad:
0x0: {  	(pc) =	sbr.rel $0x88, $3  }
0x1: {  	(tag) =	ssettag $0x0;
	lr =	simm.s32 $0x1  }
0x2: {  	[smem:$0x3F93] =	sst lr;
	_ =	strace $0xD0000000  }
0x3: {  	_ = 	snop  }
0x4: {  	_ = 	snop  }
0x5: {  	_ = 	snop  }
0x6: {  	_ = 	snop  }
0x7: {  	_ = 	snop  }
__scs_overlays_trampoline_lowered:
0x8: {  	[smem:$0x3FA2] =	sst s0  }
0x9: {  	[smem:$0x3FA3] =	sst s1  }
0xa: {  	[smem:$0x3FA4] =	sst s2  }
0xb: {  	[smem:$0x3FA5] =	sst s3  }
0xc: {  	[smem:$0x3FA6] =	sst s4  }
0xd: {  	[smem:$0x3FA7] =	sst s5  }
0xe: {  	[smem:$0x3FA8] =	sst s6  }
0xf: {  	[smem:$0x3FA9] =	sst s7  }
0x10: {  	[smem:$0x3FAA] =	sst s8  }
0x11: {  	[smem:$0x3FAB] =	sst s9;
	s0 =	simm.s32 @!p0 $0x0  }
0x12: {  	s1 =	sld [smem:$0x3F91];
	s0 =	simm.s32 @p0 $0x1  }
0x13: {  	[smem:$0x3FAC] =	sst s0;
	s0 =	simm.s32 @!p1 $0x0  }
0x14: {  	s2 =	sld [smem:$0x3F90];
	s0 =	simm.s32 @p1 $0x1  }
0x15: {  	[smem:$0x3FAD] =	sst s0;
	s0 =	simm.s32 @!p2 $0x0  }
0x16: {  	s3 =	sld [smem:$0x3FDB];
	s0 =	simm.s32 @p2 $0x1  }
0x17: {  	s4 =	simm.s32 $0x1BF5;
	[smem:$0x3FAF] =	sst s0  }
0x18: {  	s0 =	sld [smem:$0x3F92];
	_ =	swait.ge [sflag:s4], $0x0  }
0x19: {  	s7 =	sld [smem:$0x3F93]  }
0x1a: {  	s8 =	sadd.s32 $0xFFFFE003, lr  }
0x1b: {  	s9 =	sadd.s32 $0xFFFFFEF7, lr;
	s5 =	simm.s32 $0xFFFFFFFF;
	p2 =	slt.u32 s8, $0xFFFFF086  }
0x1c: {  	p1 =	slt.u32 s9, $0xF7A;
	s5 =	simm.s32 @!p2 $0x0  }
0x1d: {  	s5 =	simm.s32 @p1 $0x1;
	p0 =	seq.s32 s7, s2  }
0x1e: {  	s7 =	smul.u32 @!p0 $0xF7A, s2;
	p2 =	seq.s32 @!p0 s5, $0x0  }
0x1f: {  	s9 =	smul.u32 $0xF7A, s1;
	s8 =	simm.s32 @!p0 $0x1BF5;
	p2 =	por !p2, p0  }
0x20: {  	[sflag:s8] =	ssyncset.s32 @!p0 $0xFFFFF086;
	s6 =	sadd.s32 @!p0 s3, s7;
	s7 =	simm.s32 @!p0 $0x108  }
0x21: {  	s3 =	sadd.s32 s3, s9;
	s6 =	sadd.s32 @!p0 $0x88, s6;
	s7 =	simm.s32 @p2 $0x1082  }
0x22: {  	[simem:s7], [sflag:s8] =	dma.local @!p0 [hbm:s6], $0xF7A  }
0x23: {  	s9 =	sor.u32 $0xD0000000, s2;
	s6 =	simm.s32 $0x108;
	_ =	swait.ge @!p0 [sflag:s8], $0x0  }
0x24: {  	s3 =	sadd.s32 $0x88, s3;
	s6 =	simm.s32 @!p1 $0x1082;
	[sflag:s4] =	ssyncset.s32 $0xFFFFF086  }
0x25: {  	[simem:s6], [sflag:s4] =	dma.local [hbm:s3], $0xF7A  }
0x26: {  	[smem:$0x3F93] =	sst s1;
	(tag) =	ssettag s2;
	_ =	strace s9  }
0x27: {  	s1 =	sld [smem:$0x3FA3]  }
0x28: {  	s2 =	sld [smem:$0x3FA4]  }
0x29: {  	s4 =	sld [smem:$0x3FA6]  }
0x2a: {  	p0 =	seq.s32 s5, $0x0;
	s5 =	sld [smem:$0x3FA7]  }
0x2b: {  	s6 =	sld [smem:$0x3FA8]  }
0x2c: {  	s7 =	sld [smem:$0x3FA9]  }
0x2d: {  	s3 =	simm.s32 $0x108;
	s8 =	sld [smem:$0x3FAA]  }
0x2e: {  	s3 =	simm.s32 @!p0 $0x1082;
	s9 =	sld [smem:$0x3FAB]  }
0x2f: {  	lr =	sadd.s32 s0, s3;
	s0 =	sld [smem:$0x3FA2]  }
0x30: {  	s3 =	sld [smem:$0x3FA5]  }
0x31: {  	[smem:$0x3FAE] =	sst s10  }
0x32: {  	s10 =	sld [smem:$0x3FAC];
	_ =	sdelay $0x3  }
0x33: {  	p0 =	seq.s32 s10, $0x1;
	s10 =	sld [smem:$0x3FAE];
	_ =	sdelay $0x3  }
0x34: {  	[smem:$0x3FAE] =	sst s10  }
0x35: {  	s10 =	sld [smem:$0x3FAD];
	_ =	sdelay $0x3  }
0x36: {  	p1 =	seq.s32 s10, $0x1;
	s10 =	sld [smem:$0x3FAE];
	_ =	sdelay $0x3  }
0x37: {  	[smem:$0x3FAE] =	sst s10  }
0x38: {  	s10 =	sld [smem:$0x3FAF]  }
0x39: {  	_ = 	snop;
	(pc) =	sbr.ind lr, $3  }
0x3a: {  	_ = 	snop  }
0x3b: {  	_ = 	snop  }
0x3c: {  	p2 =	seq.s32 s10, $0x1;
	s10 =	sld [smem:$0x3FAE]  }
0x3d: {  	_ =	shalt  }
0x3e: {  	_ =	shalt  }
0x3f: {  	_ =	shalt  }
0x40: {  	_ =	shalt  }
0x41: {  	_ =	shalt  }
0x42: {  	_ =	shalt  }
0x43: {  	_ =	shalt  }
0x44: {  	_ =	shalt  }
0x45: {  	_ =	shalt  }
0x46: {  	_ =	shalt  }
0x47: {  	_ =	shalt  }
0x48: {  	_ =	shalt  }
0x49: {  	_ =	shalt  }
0x4a: {  	_ =	shalt  }
0x4b: {  	_ =	shalt  }
0x4c: {  	_ =	shalt  }
0x4d: {  	_ =	shalt  }
0x4e: {  	_ =	shalt  }
0x4f: {  	_ =	shalt  }
0x50: {  	_ =	shalt  }
0x51: {  	_ =	shalt  }
0x52: {  	_ =	shalt  }
0x53: {  	_ =	shalt  }
0x54: {  	_ =	shalt  }
0x55: {  	_ =	shalt  }
0x56: {  	_ =	shalt  }
0x57: {  	_ =	shalt  }
0x58: {  	_ =	shalt  }
0x59: {  	_ =	shalt  }
0x5a: {  	_ =	shalt  }
0x5b: {  	_ =	shalt  }
0x5c: {  	_ =	shalt  }
0x5d: {  	_ =	shalt  }
0x5e: {  	_ =	shalt  }
0x5f: {  	_ =	shalt  }
0x60: {  	_ =	shalt  }
0x61: {  	_ =	shalt  }
0x62: {  	_ =	shalt  }
0x63: {  	_ =	shalt  }
0x64: {  	_ =	shalt  }
0x65: {  	_ =	shalt  }
0x66: {  	_ =	shalt  }
0x67: {  	_ =	shalt  }
0x68: {  	_ =	shalt  }
0x69: {  	_ =	shalt  }
0x6a: {  	_ =	shalt  }
0x6b: {  	_ =	shalt  }
0x6c: {  	_ =	shalt  }
0x6d: {  	_ =	shalt  }
0x6e: {  	_ =	shalt  }
0x6f: {  	_ =	shalt  }
0x70: {  	_ =	shalt  }
0x71: {  	_ =	shalt  }
0x72: {  	_ =	shalt  }
0x73: {  	_ =	shalt  }
0x74: {  	_ =	shalt  }
0x75: {  	_ =	shalt  }
0x76: {  	_ =	shalt  }
0x77: {  	_ =	shalt  }
0x78: {  	_ =	shalt  }
0x79: {  	_ =	shalt  }
0x7a: {  	_ =	shalt  }
0x7b: {  	_ =	shalt  }
0x7c: {  	_ =	shalt  }
0x7d: {  	_ =	shalt  }
0x7e: {  	_ =	shalt  }
0x7f: {  	_ =	shalt  }
0x80: {  	_ =	shalt  }
0x81: {  	_ =	shalt  }
0x82: {  	_ =	shalt  }
0x83: {  	_ =	shalt  }
0x84: {  	_ =	shalt  }
0x85: {  	_ =	shalt  }
0x86: {  	_ =	shalt  }
0x87: {  	_ =	shalt  }
.Lfunc_end0:
.L_simem_size_0:
called_computation.1_lowered:
.L_overlay_start_0:
0x88: {  	s2 =	sld [smem:$0x3FD9]  }
0x89: {  	s3 =	sld [smem:$0x3FFE];
	_ =	sdelay $0x1  }
0x8a: {  	s1 =	srdreg.scid  }
0x8b: {  	s0 =	sand.u32 $0x1, s1  }
0x8c: {  	s14 =	sshll.u32 s0, $0xA;
	s2 =	sadd.s32 s3, s2  }
0x8d: {  	s2 =	sadd.s32 s2, s14  }
0x8e: {  	[smem:$0x3FBA] =	sst s2  }
0x8f: {  	_ = 	snop  }
0x90: {  	s2 =	sld [smem:$0x3FD0];
	_ =	sdelay $0x2  }
0x91: {  	s15 =	simm.s32 $0xA;
	s4 =	simm.s32 $0x10  }
0x92: {  	[smem:s4], [sflag:s15] =	dma.local [hbm:s2], $0x1  }
0x93: {  	_ =	swait.eq [sflag:s15], $0x1  }
0x94: {  	[sflag:s15] =	ssyncset.done $0x0  }
0x95: {  	[sflag:s15] =	ssyncadd.s32 $0xFFFFFFFF  }
0x96: {  	s16 =	sld [smem:$0x12];
	(tm) =	ssettm $0x1  }
0x97: {  	s17 =	sld [smem:$0x3FFB];
	_ =	sdelay $0x3  }
0x98: {  	_ =	strace s17  }
0x99: {  	s3 =	sld [smem:$0x3FFC];
	_ =	sdelay $0x3  }
0x9a: {  	_ =	strace s3  }
0x9b: {  	s3 =	sld [smem:$0x3FFD];
	_ =	sdelay $0x3  }
0x9c: {  	_ =	strace s3  }
0x9d: {  	_ =	strace $0x8FFFFFFF  }
0x9e: {  	s18 =	sld [smem:$0x3FDB];
	_ =	sdelay $0x1  }
0x9f: {  	s19 =	simm.s32 $_scs_section_size  }
0xa0: {  	s5 =	simm.s32 $_size__tile_overlayer_lowered;
	s6 =	simm.s32 $_tile_overlayer_lowered  }
0xa1: {  	s22 =	simm.s32 $0x1BFF;
	s21 =	sshll.u32 s6, $0x1;
	s3 =	sadd.s32 s19, s18  }
0xa2: {  	s7 =	simm.s32 $0x0;
	s20 =	sshll.u32 s5, $0x1;
	s5 =	sadd.s32 s21, s3  }
0xa3: {  	[timem:s7], [sflag:s22] =	dma.local [hbm:s5], s20  }
0xa4: {  	_ =	swait.ge [sflag:s22], s20  }
0xa5: {  	s4 =	ssub.s32 $0x0, s20;
	[sflag:s22] =	ssyncset.done $0x0  }
0xa6: {  	[sflag:s22] =	ssyncadd.s32 s4;
	_ =	sdelay $0x1  }
0xa7: {  	s23 =	simm.s32 $0x1B8B  }
0xa8: {  	_ =	swait.ge [sflag:s23], $0x1  }
0xa9: {  	[sflag:s23] =	ssyncset.done $0x0  }
0xaa: {  	s25 =	simm.s32 $0x1B8E;
	s24 =	sld [smem:$0x3FFE];
	[sflag:s23] =	ssyncadd.s32 $0xFFFFFFFF  }
0xab: {  	s26 =	simm.s32 $execute0_lowered;
	[smem:$0x3FD2] =	sst s25  }
0xac: {  	s5 =	sshll.u32 s26, $0x1;
	_ =	strace $0x80000046;
	[dreg:$0x1] =	wrdreg $0xFFFFFFFF  }
0xad: {  	s28 =	simm.s32 $_size_execute0_lowered;
	s3 =	sadd.s32 s3, s5;
	[dreg:$0x0] =	wrdreg $0x0  }
0xae: {  	s5 =	sshll.u32 s28, $0x1;
	[dreg:$0x2] =	wrdreg s3  }
0xaf: {  	[dreg:$0x3] =	wrdreg s5  }
0xb0: {  	[dreg:$0x4] =	wrdreg $0xC0  }
0xb1: {  	_ =	task [dreg:s7], $0x5FFFF  }
0xb2: {  	[dreg:$0x1] =	wrdreg $0xFFFFFFFF  }
0xb3: {  	[dreg:$0x0] =	wrdreg $0x60  }
0xb4: {  	[dreg:$0x2] =	wrdreg s16  }
0xb5: {  	[dreg:$0x3] =	wrdreg s24  }
0xb6: {  	[dreg:$0x4] =	wrdreg $0x9  }
0xb7: {  	_ =	task.clear_ibuf [dreg:s7], $0x5FFFF;
	_ =	strace $0x90000046  }
0xb8: {  	s29 =	simm.s32 $0x9;
	_ =	strace $0x80000048  }
0xb9: {  	_ =	swait.ge [sflag:s29], $0x1  }
0xba: {  	[sflag:s29] =	ssyncadd.s32 $0xFFFFFFFF  }
0xbb: {  	_ =	strace $0x90000048  }
0xbc: {  	_ =	sfence  }
0xbd: {  	s30 =	sld [smem:$0x0];
	_ =	sdelay $0x2  }
0xbe: {  	s31 =	sshll.u32 s1, $0xD;
	s1 =	sshrl.u32 s1, $0x2  }
0xbf: {  	s3 =	sand.u32 $0x4000, s31;
	s1 =	sadd.s32 s1, s30  }
0xc0: {  	s0 =	sor.u32 s3, s0;
	s1 =	sshll.u32 s1, $0x11  }
0xc1: {  	s0 =	sor.u32 s1, s0  }
0xc2: {  	s0 =	sadd.s32 $0x8F2B, s0  }
0xc3: {  	[sflag:s0] =	ssyncadd.remote.s32 $0x1  }
0xc4: {  	_ =	sfence.sel $0xFFFF  }
0xc5: {  	[dreg:$0x0] =	wrdreg $0xFFFFFFFF;
	(pc) =	sbr.abs _section_cstart, $3  }
0xc6: {  	[dreg:$0x1] =	wrdreg $0xFFFFFFFF  }
0xc7: {  	_ =	task.clear_ibuf [dreg:s7], $0x2FFFF;
	_ =	strace $0x9FFFFFFF  }
0xc8: {  	(tm) =	ssettm $0x7FFFFFFF  }
0xc9: {  	_ =	shalt  }
tec
execute0_lowered:
.L_overlay_start_1:
0x0: {  	(tag) =	ssettag $0x1  }
0x1: {  	s1 =	srdreg.scid;
	s0 =	stileid.u32  }
0x2: {  	s2 =	rddreg [dreg:$0x0];
	s29 =	sand.u32 $0x1, s1;
	s31 =	sshll.u32 s0, $0x1  }
0x3: {  	s9 =	rddreg [dreg:$0x1];
	s14 =	sor.u32 s29, s31  }
0x4: {  	s3 =	simm.s32 $0x0;
	s1 =	rddreg [dreg:$0x2];
	s4 =	sshll.u32 s14, $0x8  }
0x5: {  	[smem:$0x7FF] =	sst s3;
	s4 =	sadd.s32 s4, s9  }
0x6: {  	_ =	strace $0x80000047;
	s5 =	sadd.s32 $0x1800, s4;
	s4 =	simm.s32 $0x3  }
0x7: {  	[tilespmem:s3], [sflag:$0x3] =	stream.linear.gather [hbm4b:s5+s3], $0x500, $0x38;
	[tilespmem:$0x8800] =	vst v63  }
0x8: {  	_ =	swait.ge [sflag:s4], $0x500  }
0x9: {  	s6 =	simm.s32 $0x80;
	[sflag:s4] =	ssyncset.done $0x0  }
0xa: {  	s7 =	simm.s32 $0x800;
	s8 =	simm.s32 $0x1;
	[sflag:s4] =	ssyncadd.s32 $0xFFFFFB00  }
0xb: {  	[tilespmem:s7], [sflag:$0x1] =	stream.indirect.gather [hbm4b:s2+s6], $0x80, s3, s6, $0xb8;
	[tilespmem:$0x8800] =	vst v63  }
0xc: {  	_ =	swait.ge [sflag:s8], $0x4000  }
0xd: {  	s15 =	sadd.s32 $0x3800, s9;
	[sflag:s8] =	ssyncset.done $0x0  }
0xe: {  	s10 =	smul.u32 $0x5000, s14;
	s9 =	simm.s32 $0x4800;
	[sflag:s8] =	ssyncadd.s32 $0xFFFFC000  }
0xf: {  	[tilespmem:s9], [sflag:$0x2] =	stream.indirect.gather [hbm4b:s2+s6], $0x80, s6, s6, $0xb8;
	[tilespmem:$0x8800] =	vst v63  }
0x10: {  	s10 =	sadd.s32 s15, s10  }
0x11: {  	[hbm4b:s10+s3] =	stream.linear.scatter [tilespmem:s7], [sflag:$0x3], $0x4000, $0x38;
	[tilespmem:$0x8800] =	vst v63  }
0x12: {  	_ =	swait.ge [sflag:s4], $0x4000  }
0x13: {  	[sflag:s4] =	ssyncset.done $0x0  }
0x14: {  	s11 =	simm.s32 $0x100;
	s12 =	simm.s32 $0x2;
	[sflag:s4] =	ssyncadd.s32 $0xFFFFC000  }
0x15: {  	[tilespmem:s7], [sflag:$0x1] =	stream.indirect.gather [hbm4b:s2+s6], $0x80, s11, s6, $0xb8;
	[tilespmem:$0x8800] =	vst v63  }
0x16: {  	_ =	swait.ge [sflag:s12], $0x4000  }
0x17: {  	[sflag:s12] =	ssyncset.done $0x0  }
0x18: {  	s13 =	sadd.s32 $0x800, s10;
	[sflag:s12] =	ssyncadd.s32 $0xFFFFC000  }
0x19: {  	[hbm4b:s13+s3] =	stream.linear.scatter [tilespmem:s9], [sflag:$0x3], $0x4000, $0x38;
	[tilespmem:$0x8800] =	vst v63  }
0x1a: {  	_ =	swait.ge [sflag:s4], $0x4000  }
0x1b: {  	[sflag:s4] =	ssyncset.done $0x0  }
0x1c: {  	s14 =	smul.u32 $0x28000, s14;
	[sflag:s4] =	ssyncadd.s32 $0xFFFFC000  }
0x1d: {  	_ =	swait.ge [sflag:s8], $0x4000  }
0x1e: {  	s14 =	sshrl.u32 s14, $0x3;
	[sflag:s8] =	ssyncset.done $0x0  }
0x1f: {  	s30 =	sadd.s32 s15, s14;
	s14 =	simm.s32 $0x180;
	[sflag:s8] =	ssyncadd.s32 $0xFFFFC000  }
0x20: {  	[tilespmem:s9], [sflag:$0x2] =	stream.indirect.gather [hbm4b:s2+s6], $0x80, s14, s6, $0xb8;
	[tilespmem:$0x8800] =	vst v63  }
0x21: {  	s15 =	sadd.s32 $0x1000, s30  }
0x22: {  	[hbm4b:s15+s3] =	stream.linear.scatter [tilespmem:s7], [sflag:$0x3], $0x4000, $0x38;
	[tilespmem:$0x8800] =	vst v63  }
0x23: {  	_ =	swait.ge [sflag:s4], $0x4000  }
0x24: {  	[sflag:s4] =	ssyncset.done $0x0  }
0x25: {  	s16 =	simm.s32 $0x200;
	[sflag:s4] =	ssyncadd.s32 $0xFFFFC000  }
0x26: {  	[tilespmem:s7], [sflag:$0x1] =	stream.indirect.gather [hbm4b:s2+s6], $0x80, s16, s6, $0xb8;
	[tilespmem:$0x8800] =	vst v63  }
0x27: {  	_ =	swait.ge [sflag:s12], $0x4000  }
0x28: {  	[sflag:s12] =	ssyncset.done $0x0  }
0x29: {  	s17 =	sadd.s32 $0x1800, s30;
	[sflag:s12] =	ssyncadd.s32 $0xFFFFC000  }
0x2a: {  	[hbm4b:s17+s3] =	stream.linear.scatter [tilespmem:s9], [sflag:$0x3], $0x4000, $0x38;
	[tilespmem:$0x8800] =	vst v63  }
0x2b: {  	_ =	swait.ge [sflag:s4], $0x4000  }
0x2c: {  	[sflag:s4] =	ssyncset.done $0x0  }
0x2d: {  	[sflag:s4] =	ssyncadd.s32 $0xFFFFC000  }
0x2e: {  	_ =	swait.ge [sflag:s8], $0x4000  }
0x2f: {  	[sflag:s8] =	ssyncset.done $0x0  }
0x30: {  	s18 =	simm.s32 $0x280;
	[sflag:s8] =	ssyncadd.s32 $0xFFFFC000  }
0x31: {  	[tilespmem:s9], [sflag:$0x2] =	stream.indirect.gather [hbm4b:s2+s6], $0x80, s18, s6, $0xb8;
	[tilespmem:$0x8800] =	vst v63  }
0x32: {  	s19 =	sadd.s32 $0x2000, s30  }
0x33: {  	[hbm4b:s19+s3] =	stream.linear.scatter [tilespmem:s7], [sflag:$0x3], $0x4000, $0x38;
	[tilespmem:$0x8800] =	vst v63  }
0x34: {  	_ =	swait.ge [sflag:s4], $0x4000  }
0x35: {  	[sflag:s4] =	ssyncset.done $0x0  }
0x36: {  	s20 =	simm.s32 $0x300;
	[sflag:s4] =	ssyncadd.s32 $0xFFFFC000  }
0x37: {  	[tilespmem:s7], [sflag:$0x1] =	stream.indirect.gather [hbm4b:s2+s6], $0x80, s20, s6, $0xb8;
	[tilespmem:$0x8800] =	vst v63  }
0x38: {  	_ =	swait.ge [sflag:s12], $0x4000  }
0x39: {  	[sflag:s12] =	ssyncset.done $0x0  }
0x3a: {  	s21 =	sadd.s32 $0x2800, s30;
	[sflag:s12] =	ssyncadd.s32 $0xFFFFC000  }
0x3b: {  	[hbm4b:s21+s3] =	stream.linear.scatter [tilespmem:s9], [sflag:$0x3], $0x4000, $0x38;
	[tilespmem:$0x8800] =	vst v63  }
0x3c: {  	_ =	swait.ge [sflag:s4], $0x4000  }
0x3d: {  	[sflag:s4] =	ssyncset.done $0x0  }
0x3e: {  	[sflag:s4] =	ssyncadd.s32 $0xFFFFC000  }
0x3f: {  	_ =	swait.ge [sflag:s8], $0x4000  }
0x40: {  	[sflag:s8] =	ssyncset.done $0x0  }
0x41: {  	s22 =	simm.s32 $0x380;
	[sflag:s8] =	ssyncadd.s32 $0xFFFFC000  }
0x42: {  	[tilespmem:s9], [sflag:$0x2] =	stream.indirect.gather [hbm4b:s2+s6], $0x80, s22, s6, $0xb8;
	[tilespmem:$0x8800] =	vst v63  }
0x43: {  	s23 =	sadd.s32 $0x3000, s30  }
0x44: {  	[hbm4b:s23+s3] =	stream.linear.scatter [tilespmem:s7], [sflag:$0x3], $0x4000, $0x38;
	[tilespmem:$0x8800] =	vst v63  }
0x45: {  	_ =	swait.ge [sflag:s4], $0x4000  }
0x46: {  	[sflag:s4] =	ssyncset.done $0x0  }
0x47: {  	s24 =	simm.s32 $0x400;
	[sflag:s4] =	ssyncadd.s32 $0xFFFFC000  }
0x48: {  	[tilespmem:s7], [sflag:$0x1] =	stream.indirect.gather [hbm4b:s2+s6], $0x80, s24, s6, $0xb8;
	[tilespmem:$0x8800] =	vst v63  }
0x49: {  	_ =	swait.ge [sflag:s12], $0x4000  }
0x4a: {  	[sflag:s12] =	ssyncset.done $0x0  }
0x4b: {  	s25 =	sadd.s32 $0x3800, s30;
	[sflag:s12] =	ssyncadd.s32 $0xFFFFC000  }
0x4c: {  	[hbm4b:s25+s3] =	stream.linear.scatter [tilespmem:s9], [sflag:$0x3], $0x4000, $0x38;
	[tilespmem:$0x8800] =	vst v63  }
0x4d: {  	_ =	swait.ge [sflag:s4], $0x4000  }
0x4e: {  	[sflag:s4] =	ssyncset.done $0x0  }
0x4f: {  	[sflag:s4] =	ssyncadd.s32 $0xFFFFC000  }
0x50: {  	_ =	swait.ge [sflag:s8], $0x4000  }
0x51: {  	[sflag:s8] =	ssyncset.done $0x0  }
0x52: {  	s26 =	simm.s32 $0x480;
	[sflag:s8] =	ssyncadd.s32 $0xFFFFC000  }
0x53: {  	[tilespmem:s9], [sflag:$0x2] =	stream.indirect.gather [hbm4b:s2+s6], $0x80, s26, s6, $0xb8;
	[tilespmem:$0x8800] =	vst v63  }
0x54: {  	s29 =	ssub.s32 $0x2, s29;
	s28 =	sadd.s32 $0x4000, s30  }
0x55: {  	[hbm4b:s28+s3] =	stream.linear.scatter [tilespmem:s7], [sflag:$0x3], $0x4000, $0x38;
	[tilespmem:$0x8800] =	vst v63  }
0x56: {  	s31 =	sshrl.u32 s29, $0x1;
	_ =	swait.ge [sflag:s4], $0x4000  }
0x57: {  	s31 =	ssub.s32 s29, s31;
	[sflag:s4] =	ssyncset.done $0x0  }
0x58: {  	s29 =	sadd.s32 $0x4800, s30;
	s30 =	smax.u32 s31, $0x1;
	[sflag:s4] =	ssyncadd.s32 $0xFFFFC000  }
0x59: {  	p0 =	sne.s32 s30, $0x1;
	_ =	swait.ge [sflag:s12], $0x4000  }
.Ltmp0:
0x5a: {  	[sflag:s12] =	ssyncset.done $0x0;
	(pc) =	sbr.rel @!p0 .LBB2_2-.Ltmp0, $4  }
0x5b: {  	[sflag:s12] =	ssyncadd.s32 $0xFFFFC000  }
0x5c: {  	[hbm4b:s29+s3] =	stream.linear.scatter [tilespmem:s9], [sflag:$0x3], $0x4000, $0x38;
	[tilespmem:$0x8800] =	vst v63  }
0x5d: {  	_ =	swait.ge [sflag:s4], $0x4000  }
0x5e: {  	s30 =	sadd.s32 $0xFFFFFFFF, s30;
	[sflag:s4] =	ssyncset.done $0x0  }
.LBB2_1:
0x5f: {  	p0 =	sne.s32 s30, $0x1;
	s30 =	sadd.s32 $0xFFFFFFFF, s30;
	[sflag:s4] =	ssyncadd.s32 $0xFFFFC000  }
0x60: {  	[tilespmem:s3], [sflag:$0x3] =	stream.linear.gather [hbm4b:s5+s3], $0x500, $0x38;
	[tilespmem:$0x8800] =	vst v63  }
0x61: {  	_ =	swait.ge [sflag:s4], $0x500  }
0x62: {  	[sflag:s4] =	ssyncset.done $0x0  }
0x63: {  	[sflag:s4] =	ssyncadd.s32 $0xFFFFFB00  }
0x64: {  	[tilespmem:s7], [sflag:$0x1] =	stream.indirect.gather [hbm4b:s2+s6], $0x80, s3, s6, $0xb8;
	[tilespmem:$0x8800] =	vst v63  }
0x65: {  	_ =	swait.ge [sflag:s8], $0x4000  }
0x66: {  	[sflag:s8] =	ssyncset.done $0x0  }
0x67: {  	[sflag:s8] =	ssyncadd.s32 $0xFFFFC000  }
0x68: {  	[tilespmem:s9], [sflag:$0x2] =	stream.indirect.gather [hbm4b:s2+s6], $0x80, s6, s6, $0xb8;
	[tilespmem:$0x8800] =	vst v63  }
0x69: {  	_ = 	snop  }
0x6a: {  	[hbm4b:s10+s3] =	stream.linear.scatter [tilespmem:s7], [sflag:$0x3], $0x4000, $0x38;
	[tilespmem:$0x8800] =	vst v63  }
0x6b: {  	_ =	swait.ge [sflag:s4], $0x4000  }
0x6c: {  	[sflag:s4] =	ssyncset.done $0x0  }
0x6d: {  	[sflag:s4] =	ssyncadd.s32 $0xFFFFC000  }
0x6e: {  	[tilespmem:s7], [sflag:$0x1] =	stream.indirect.gather [hbm4b:s2+s6], $0x80, s11, s6, $0xb8;
	[tilespmem:$0x8800] =	vst v63  }
0x6f: {  	_ =	swait.ge [sflag:s12], $0x4000  }
0x70: {  	[sflag:s12] =	ssyncset.done $0x0  }
0x71: {  	[sflag:s12] =	ssyncadd.s32 $0xFFFFC000  }
0x72: {  	[hbm4b:s13+s3] =	stream.linear.scatter [tilespmem:s9], [sflag:$0x3], $0x4000, $0x38;
	[tilespmem:$0x8800] =	vst v63  }
0x73: {  	_ =	swait.ge [sflag:s4], $0x4000  }
0x74: {  	[sflag:s4] =	ssyncset.done $0x0  }
0x75: {  	[sflag:s4] =	ssyncadd.s32 $0xFFFFC000  }
0x76: {  	_ =	swait.ge [sflag:s8], $0x4000  }
0x77: {  	[sflag:s8] =	ssyncset.done $0x0  }
0x78: {  	[sflag:s8] =	ssyncadd.s32 $0xFFFFC000  }
0x79: {  	[tilespmem:s9], [sflag:$0x2] =	stream.indirect.gather [hbm4b:s2+s6], $0x80, s14, s6, $0xb8;
	[tilespmem:$0x8800] =	vst v63  }
0x7a: {  	_ = 	snop  }
0x7b: {  	[hbm4b:s15+s3] =	stream.linear.scatter [tilespmem:s7], [sflag:$0x3], $0x4000, $0x38;
	[tilespmem:$0x8800] =	vst v63  }
0x7c: {  	_ =	swait.ge [sflag:s4], $0x4000  }
0x7d: {  	[sflag:s4] =	ssyncset.done $0x0  }
0x7e: {  	[sflag:s4] =	ssyncadd.s32 $0xFFFFC000  }
0x7f: {  	[tilespmem:s7], [sflag:$0x1] =	stream.indirect.gather [hbm4b:s2+s6], $0x80, s16, s6, $0xb8;
	[tilespmem:$0x8800] =	vst v63  }
0x80: {  	_ =	swait.ge [sflag:s12], $0x4000  }
0x81: {  	[sflag:s12] =	ssyncset.done $0x0  }
0x82: {  	[sflag:s12] =	ssyncadd.s32 $0xFFFFC000  }
0x83: {  	[hbm4b:s17+s3] =	stream.linear.scatter [tilespmem:s9], [sflag:$0x3], $0x4000, $0x38;
	[tilespmem:$0x8800] =	vst v63  }
0x84: {  	_ =	swait.ge [sflag:s4], $0x4000  }
0x85: {  	[sflag:s4] =	ssyncset.done $0x0  }
0x86: {  	[sflag:s4] =	ssyncadd.s32 $0xFFFFC000  }
0x87: {  	_ =	swait.ge [sflag:s8], $0x4000  }
0x88: {  	[sflag:s8] =	ssyncset.done $0x0  }
0x89: {  	[sflag:s8] =	ssyncadd.s32 $0xFFFFC000  }
0x8a: {  	[tilespmem:s9], [sflag:$0x2] =	stream.indirect.gather [hbm4b:s2+s6], $0x80, s18, s6, $0xb8;
	[tilespmem:$0x8800] =	vst v63  }
0x8b: {  	_ = 	snop  }
0x8c: {  	[hbm4b:s19+s3] =	stream.linear.scatter [tilespmem:s7], [sflag:$0x3], $0x4000, $0x38;
	[tilespmem:$0x8800] =	vst v63  }
0x8d: {  	_ =	swait.ge [sflag:s4], $0x4000  }
0x8e: {  	[sflag:s4] =	ssyncset.done $0x0  }
0x8f: {  	[sflag:s4] =	ssyncadd.s32 $0xFFFFC000  }
0x90: {  	[tilespmem:s7], [sflag:$0x1] =	stream.indirect.gather [hbm4b:s2+s6], $0x80, s20, s6, $0xb8;
	[tilespmem:$0x8800] =	vst v63  }
0x91: {  	_ =	swait.ge [sflag:s12], $0x4000  }
0x92: {  	[sflag:s12] =	ssyncset.done $0x0  }
0x93: {  	[sflag:s12] =	ssyncadd.s32 $0xFFFFC000  }
0x94: {  	[hbm4b:s21+s3] =	stream.linear.scatter [tilespmem:s9], [sflag:$0x3], $0x4000, $0x38;
	[tilespmem:$0x8800] =	vst v63  }
0x95: {  	_ =	swait.ge [sflag:s4], $0x4000  }
0x96: {  	[sflag:s4] =	ssyncset.done $0x0  }
0x97: {  	[sflag:s4] =	ssyncadd.s32 $0xFFFFC000  }
0x98: {  	_ =	swait.ge [sflag:s8], $0x4000  }
0x99: {  	[sflag:s8] =	ssyncset.done $0x0  }
0x9a: {  	[sflag:s8] =	ssyncadd.s32 $0xFFFFC000  }
0x9b: {  	[tilespmem:s9], [sflag:$0x2] =	stream.indirect.gather [hbm4b:s2+s6], $0x80, s22, s6, $0xb8;
	[tilespmem:$0x8800] =	vst v63  }
0x9c: {  	_ = 	snop  }
0x9d: {  	[hbm4b:s23+s3] =	stream.linear.scatter [tilespmem:s7], [sflag:$0x3], $0x4000, $0x38;
	[tilespmem:$0x8800] =	vst v63  }
0x9e: {  	_ =	swait.ge [sflag:s4], $0x4000  }
0x9f: {  	[sflag:s4] =	ssyncset.done $0x0  }
0xa0: {  	[sflag:s4] =	ssyncadd.s32 $0xFFFFC000  }
0xa1: {  	[tilespmem:s7], [sflag:$0x1] =	stream.indirect.gather [hbm4b:s2+s6], $0x80, s24, s6, $0xb8;
	[tilespmem:$0x8800] =	vst v63  }
0xa2: {  	_ =	swait.ge [sflag:s12], $0x4000  }
0xa3: {  	[sflag:s12] =	ssyncset.done $0x0  }
0xa4: {  	[sflag:s12] =	ssyncadd.s32 $0xFFFFC000  }
0xa5: {  	[hbm4b:s25+s3] =	stream.linear.scatter [tilespmem:s9], [sflag:$0x3], $0x4000, $0x38;
	[tilespmem:$0x8800] =	vst v63  }
0xa6: {  	_ =	swait.ge [sflag:s4], $0x4000  }
0xa7: {  	[sflag:s4] =	ssyncset.done $0x0  }
0xa8: {  	[sflag:s4] =	ssyncadd.s32 $0xFFFFC000  }
0xa9: {  	_ =	swait.ge [sflag:s8], $0x4000  }
0xaa: {  	[sflag:s8] =	ssyncset.done $0x0  }
0xab: {  	[sflag:s8] =	ssyncadd.s32 $0xFFFFC000  }
0xac: {  	[tilespmem:s9], [sflag:$0x2] =	stream.indirect.gather [hbm4b:s2+s6], $0x80, s26, s6, $0xb8;
	[tilespmem:$0x8800] =	vst v63  }
0xad: {  	_ = 	snop  }
0xae: {  	[hbm4b:s28+s3] =	stream.linear.scatter [tilespmem:s7], [sflag:$0x3], $0x4000, $0x38;
	[tilespmem:$0x8800] =	vst v63  }
0xaf: {  	_ =	swait.ge [sflag:s4], $0x4000  }
0xb0: {  	[sflag:s4] =	ssyncset.done $0x0  }
0xb1: {  	[sflag:s4] =	ssyncadd.s32 $0xFFFFC000  }
0xb2: {  	_ =	swait.ge [sflag:s12], $0x4000  }
.Ltmp1:
0xb3: {  	[sflag:s12] =	ssyncset.done $0x0;
	(pc) =	sbr.rel @p0 .LBB2_1-.Ltmp1, $4  }
0xb4: {  	[sflag:s12] =	ssyncadd.s32 $0xFFFFC000  }
0xb5: {  	[hbm4b:s29+s3] =	stream.linear.scatter [tilespmem:s9], [sflag:$0x3], $0x4000, $0x38;
	[tilespmem:$0x8800] =	vst v63  }
0xb6: {  	_ =	swait.ge [sflag:s4], $0x4000  }
0xb7: {  	[sflag:s4] =	ssyncset.done $0x0  }
.LBB2_2:
0xb8: {  	[sflag:s4] =	ssyncadd.s32 $0xFFFFC000  }
0xb9: {  	_ =	sfence.sel $0x180000  }
0xba: {  	[bflag:$0x0] =	sbarrier.arrive $0xFFFF  }
0xbb: {  	p0 =	sne.s32 s0, $0x0;
	_ =	strace $0x90000047  }
0xbc: {  	s0 =	sadd.s32 @!p0 $0x100000, s1;
	[bflag:$0x2] =	sbarrier.arrive $0xFFFF  }
0xbd: {  	[sflag:s0] =	ssyncadd.tile.s32 @!p0 $0x1;
	_ =	shalt  }
.Lfunc_end2:
_tile_overlayer_lowered:
.L_overlay_start_2:
0xbe: {  	(tag) =	ssettag $0x2  }
0xbf: {  	s0 =	rddreg [dreg:$0x0];
	s2 =	stileid.u32  }
0xc0: {  	s1 =	rddreg [dreg:$0x1];
	p0 =	sne.s32 s2, $0x0  }
0xc1: {  	s3 =	rddreg [dreg:$0x2];
	[bflag:$0x3] =	sbarrier.arrive $0xFFFF;
	s2 =	simm.s32 @!p0 $0x1C03  }
0xc2: {  	[timem:s3], [sflag:s2] =	dma.local @!p0 [hbm:s0], s1  }
0xc3: {  	s0 =	simm.s32 @!p0 $0x3  }
0xc4: {  	_ =	swait.ge @!p0 [sflag:s0], s1  }
0xc5: {  	s1 =	ssub.s32 @!p0 $0x0, s1;
	[sflag:s0] =	ssyncset.done @!p0 $0x0  }
0xc6: {  	[sflag:s0] =	ssyncadd.s32 @!p0 s1  }
0xc7: {  	[bflag:$0x3] =	sbarrier.arrive $0xFFFF  }
0xc8: {  	_ =	shalt  }

</sc_bundles>
